<compile_context>
chip_gen: v7x
topology: tpu7x:2x2x1
jax: 0.10.2.dev20260603
libtpu: 0.0.44.dev20260713+nightly
codegen_flags: <defaults>
</compile_context>

<pallas_src>
import dataclasses
import functools

import jax
import jax.numpy as jnp
from jax import lax
from jax.experimental import pallas as pl
from jax.experimental.pallas import tpu as pltpu
from jax.experimental.pallas import tpu_sc as plsc

NUM_CORES = 2
NUM_SUBCORES = 16
NUM_TILES = NUM_CORES * NUM_SUBCORES
LANES = 16

BATCH = 16384
DIM = 64
PAD_DIM = 128
ROWS_PER_TILE = BATCH // NUM_TILES
CHUNK = 128
NCHUNK = ROWS_PER_TILE // CHUNK
DIM_VREGS = DIM // LANES


def _distmult_body(ent_hbm, rel_hbm, h_hbm, r_hbm, t_hbm, out_hbm,
                   hidx, ridx, tidx, h_bufs, r_bufs, t_bufs, q, out_v,
                   sem0, sem1):
    wid = lax.axis_index("s") * NUM_CORES + lax.axis_index("c")
    base = wid * ROWS_PER_TILE

    pltpu.sync_copy(h_hbm.at[pl.ds(base, ROWS_PER_TILE)], hidx)
    pltpu.sync_copy(r_hbm.at[pl.ds(base, ROWS_PER_TILE)], ridx)
    pltpu.sync_copy(t_hbm.at[pl.ds(base, ROWS_PER_TILE)], tidx)

    sems = (sem0, sem1)

    def issue(c):
        par = c % 2
        sl = pl.ds(c * CHUNK, CHUNK)
        return [
            pltpu.async_copy(ent_hbm.at[hidx.at[sl]], h_bufs.at[par], sems[par]),
            pltpu.async_copy(ent_hbm.at[tidx.at[sl]], t_bufs.at[par], sems[par]),
            pltpu.async_copy(rel_hbm.at[ridx.at[sl]], r_bufs.at[par], sems[par]),
        ]

    pending = issue(0)
    for c in range(NCHUNK):
        current = pending
        if c + 1 < NCHUNK:
            pending = issue(c + 1)
        for cp in current:
            cp.wait()
        par = c % 2
        hb, rb, tb = h_bufs.at[par], r_bufs.at[par], t_bufs.at[par]

        @pl.loop(0, CHUNK)
        def _(i):
            acc = (hb[i, pl.ds(0, LANES)]
                   * rb[i, pl.ds(0, LANES)]
                   * tb[i, pl.ds(0, LANES)])
            for d in range(1, DIM_VREGS):
                acc = acc + (hb[i, pl.ds(d * LANES, LANES)]
                             * rb[i, pl.ds(d * LANES, LANES)]
                             * tb[i, pl.ds(d * LANES, LANES)])
            q[c * CHUNK + i, :] = acc

    lanes_iota = lax.iota(jnp.int32, LANES)

    @pl.loop(0, ROWS_PER_TILE, step=LANES)
    def _(i0):
        rows16 = i0 + lanes_iota
        acc = plsc.load_gather(q, [rows16, jnp.zeros((LANES,), jnp.int32)])
        for l in range(1, LANES):
            acc = acc + plsc.load_gather(q, [rows16, jnp.full((LANES,), l, jnp.int32)])
        out_v[pl.ds(i0, LANES)] = acc

    pltpu.sync_copy(out_v, out_hbm.at[pl.ds(base, ROWS_PER_TILE)])


@jax.jit
def kernel(entity_embeddings, relation_embeddings, h, r, t):
    ent_pad = jnp.pad(entity_embeddings, ((0, 0), (0, PAD_DIM - DIM)))
    mesh = plsc.VectorSubcoreMesh(core_axis_name="c", subcore_axis_name="s")
    cp = pltpu.CompilerParams()
    if "needs_layout_passes" in pltpu.CompilerParams.__dataclass_fields__:
        cp = dataclasses.replace(cp, needs_layout_passes=False)
    if "use_tc_tiling_on_sc" in pltpu.CompilerParams.__dataclass_fields__:
        cp = dataclasses.replace(cp, use_tc_tiling_on_sc=False)
    run = pl.kernel(
        _distmult_body,
        out_type=jax.ShapeDtypeStruct((BATCH,), jnp.float32),
        mesh=mesh,
        scratch_types=[
            pltpu.VMEM((ROWS_PER_TILE,), jnp.int32),
            pltpu.VMEM((ROWS_PER_TILE,), jnp.int32),
            pltpu.VMEM((ROWS_PER_TILE,), jnp.int32),
            pltpu.VMEM((2, CHUNK, PAD_DIM), jnp.float32),
            pltpu.VMEM((2, CHUNK, DIM), jnp.float32),
            pltpu.VMEM((2, CHUNK, PAD_DIM), jnp.float32),
            pltpu.VMEM((ROWS_PER_TILE, LANES), jnp.float32),
            pltpu.VMEM((ROWS_PER_TILE,), jnp.float32),
            pltpu.SemaphoreType.DMA,
            pltpu.SemaphoreType.DMA,
        ],
        compiler_params=cp,
    )
    return run(ent_pad, relation_embeddings,
               h.astype(jnp.int32), r.astype(jnp.int32), t.astype(jnp.int32))

# --- scband reference (transcript-rebuilt; emitter-appended) ---
"""Pipeline reference for scband-dist-mult-model-30562987279071 (READ-ONLY COPY).

The authoritative reference and input builder live on the scoring server;
editing this copy changes nothing except your own understanding.
"""

import jax, jax.numpy as jnp
import numpy as np

NUM_ENTITIES = 1000000
NUM_RELATIONS = 1000
EMBED_DIM = 64
BATCH = 16384


def setup_inputs(seed: int = 0) -> dict:
    key = jax.random.key(seed)
    k1, k2, k3, k4, k5 = jax.random.split(key, 5)
    # xavier_uniform bound = sqrt(6/(fan_in+fan_out))
    bound_e = float(np.sqrt(6.0 / (NUM_ENTITIES + EMBED_DIM)))
    bound_r = float(np.sqrt(6.0 / (NUM_RELATIONS + EMBED_DIM)))
    entity_embeddings = jax.random.uniform(k1, (NUM_ENTITIES, EMBED_DIM), dtype=jnp.float32, minval=-bound_e, maxval=bound_e)
    relation_embeddings = jax.random.uniform(k2, (NUM_RELATIONS, EMBED_DIM), dtype=jnp.float32, minval=-bound_r, maxval=bound_r)
    h = jax.random.randint(k3, (BATCH,), 0, NUM_ENTITIES, dtype=jnp.int32).astype(jnp.int64) if False else jax.random.randint(k3, (BATCH,), 0, NUM_ENTITIES)
    r = jax.random.randint(k4, (BATCH,), 0, NUM_RELATIONS)
    t = jax.random.randint(k5, (BATCH,), 0, NUM_ENTITIES)
    return {"entity_embeddings": entity_embeddings, "relation_embeddings": relation_embeddings, "h": h, "r": r, "t": t}


def reference(entity_embeddings, relation_embeddings, h, r, t):
    h_emb = jnp.take(entity_embeddings, h, axis=0)
    r_emb = jnp.take(relation_embeddings, r, axis=0)
    t_emb = jnp.take(entity_embeddings, t, axis=0)
    return jnp.sum(h_emb * r_emb * t_emb, axis=1)

if __name__ == "__main__":
    import jax
    _d = setup_inputs()
    print(jax.jit(kernel)(*tuple(_d.values())))

</pallas_src>

<mosaic_0001>
#map = affine_map<(d0, d1) -> (0, 0)>
#map1 = affine_map<(d0, d1) -> (0)>
module attributes {stable_mosaic.version = 14 : i64} {
  func.func @_distmult_body(%arg0: i32, %arg1: i32, %arg2: memref<1000000x128xf32, #tpu.memory_space<hbm>>, %arg3: memref<1000x64xf32, #tpu.memory_space<hbm>>, %arg4: memref<16384xi32, #tpu.memory_space<hbm>>, %arg5: memref<16384xi32, #tpu.memory_space<hbm>>, %arg6: memref<16384xi32, #tpu.memory_space<hbm>>, %arg7: memref<16384xf32, #tpu.memory_space<hbm>>, %arg8: memref<512xi32, #tpu.memory_space<vmem>>, %arg9: memref<512xi32, #tpu.memory_space<vmem>>, %arg10: memref<512xi32, #tpu.memory_space<vmem>>, %arg11: memref<2x128x128xf32, #tpu.memory_space<vmem>>, %arg12: memref<2x128x64xf32, #tpu.memory_space<vmem>>, %arg13: memref<2x128x128xf32, #tpu.memory_space<vmem>>, %arg14: memref<512x16xf32, #tpu.memory_space<vmem>>, %arg15: memref<512xf32, #tpu.memory_space<vmem>>, %arg16: memref<!tpu.dma_semaphore, #tpu.memory_space<semaphore_mem>>, %arg17: memref<!tpu.dma_semaphore, #tpu.memory_space<semaphore_mem>>) attributes {dimension_semantics = [#tpu.dimension_semantics<core_parallel>, #tpu.dimension_semantics<subcore_parallel>], iteration_bounds = array<i64: 2, 16>, scalar_prefetch = 0 : i64, scratch_operands = 10 : i64, tpu.core_type = #tpu.core_type<sc_vector_subcore>, window_params = [{transform_indices = #map}, {transform_indices = #map}, {transform_indices = #map1}, {transform_indices = #map1}, {transform_indices = #map1}, {transform_indices = #map1}]} {
    %mul3A = arith.constant 2 : i32
    %mul3A_0 = arith.muli %arg1, %mul3A : i32
    %add3A = arith.addi %mul3A_0, %arg0 : i32
    %mul3A_1 = arith.constant 512 : i32
    %mul3A_2 = arith.muli %add3A, %mul3A_1 : i32
    "tpu.region"() ({
      %run_scoped3A = tpu.sem_alloc : memref<!tpu.dma_semaphore, #tpu.memory_space<semaphore_mem>>
      %dma_start3A_277 = tpu.memref_slice %arg4[%mul3A_2] : memref<16384xi32, #tpu.memory_space<hbm>> -> memref<512xi32, #tpu.memory_space<hbm>>
      %dma_start3A_278 = tpu.memref_slice %arg4[%mul3A_2] : memref<16384xi32, #tpu.memory_space<hbm>> -> memref<512xi32, #tpu.memory_space<hbm>>
      tpu.enqueue_dma source(%dma_start3A_278 : memref<512xi32, #tpu.memory_space<hbm>>) target(%arg8 : memref<512xi32, #tpu.memory_space<vmem>>) target_semaphore(%run_scoped3A : memref<!tpu.dma_semaphore, #tpu.memory_space<semaphore_mem>>)
      %dma_wait3A_279 = tpu.memref_slice %arg4[%mul3A_2] : memref<16384xi32, #tpu.memory_space<hbm>> -> memref<512xi32, #tpu.memory_space<hbm>>
      %dma_wait3A_280 = tpu.memref_slice %arg4[%mul3A_2] : memref<16384xi32, #tpu.memory_space<hbm>> -> memref<512xi32, #tpu.memory_space<hbm>>
      tpu.wait_dma2 semaphore(%run_scoped3A : memref<!tpu.dma_semaphore, #tpu.memory_space<semaphore_mem>>) src(%dma_wait3A_280 : memref<512xi32, #tpu.memory_space<hbm>>) dst(%arg8 : memref<512xi32, #tpu.memory_space<vmem>>)
      tpu.yield
    }) : () -> ()
    "tpu.region"() ({
      %run_scoped3A = tpu.sem_alloc : memref<!tpu.dma_semaphore, #tpu.memory_space<semaphore_mem>>
      %dma_start3A_277 = tpu.memref_slice %arg5[%mul3A_2] : memref<16384xi32, #tpu.memory_space<hbm>> -> memref<512xi32, #tpu.memory_space<hbm>>
      %dma_start3A_278 = tpu.memref_slice %arg5[%mul3A_2] : memref<16384xi32, #tpu.memory_space<hbm>> -> memref<512xi32, #tpu.memory_space<hbm>>
      tpu.enqueue_dma source(%dma_start3A_278 : memref<512xi32, #tpu.memory_space<hbm>>) target(%arg9 : memref<512xi32, #tpu.memory_space<vmem>>) target_semaphore(%run_scoped3A : memref<!tpu.dma_semaphore, #tpu.memory_space<semaphore_mem>>)
      %dma_wait3A_279 = tpu.memref_slice %arg5[%mul3A_2] : memref<16384xi32, #tpu.memory_space<hbm>> -> memref<512xi32, #tpu.memory_space<hbm>>
      %dma_wait3A_280 = tpu.memref_slice %arg5[%mul3A_2] : memref<16384xi32, #tpu.memory_space<hbm>> -> memref<512xi32, #tpu.memory_space<hbm>>
      tpu.wait_dma2 semaphore(%run_scoped3A : memref<!tpu.dma_semaphore, #tpu.memory_space<semaphore_mem>>) src(%dma_wait3A_280 : memref<512xi32, #tpu.memory_space<hbm>>) dst(%arg9 : memref<512xi32, #tpu.memory_space<vmem>>)
      tpu.yield
    }) : () -> ()
    "tpu.region"() ({
      %run_scoped3A = tpu.sem_alloc : memref<!tpu.dma_semaphore, #tpu.memory_space<semaphore_mem>>
      %dma_start3A_277 = tpu.memref_slice %arg6[%mul3A_2] : memref<16384xi32, #tpu.memory_space<hbm>> -> memref<512xi32, #tpu.memory_space<hbm>>
      %dma_start3A_278 = tpu.memref_slice %arg6[%mul3A_2] : memref<16384xi32, #tpu.memory_space<hbm>> -> memref<512xi32, #tpu.memory_space<hbm>>
      tpu.enqueue_dma source(%dma_start3A_278 : memref<512xi32, #tpu.memory_space<hbm>>) target(%arg10 : memref<512xi32, #tpu.memory_space<vmem>>) target_semaphore(%run_scoped3A : memref<!tpu.dma_semaphore, #tpu.memory_space<semaphore_mem>>)
      %dma_wait3A_279 = tpu.memref_slice %arg6[%mul3A_2] : memref<16384xi32, #tpu.memory_space<hbm>> -> memref<512xi32, #tpu.memory_space<hbm>>
      %dma_wait3A_280 = tpu.memref_slice %arg6[%mul3A_2] : memref<16384xi32, #tpu.memory_space<hbm>> -> memref<512xi32, #tpu.memory_space<hbm>>
      tpu.wait_dma2 semaphore(%run_scoped3A : memref<!tpu.dma_semaphore, #tpu.memory_space<semaphore_mem>>) src(%dma_wait3A_280 : memref<512xi32, #tpu.memory_space<hbm>>) dst(%arg10 : memref<512xi32, #tpu.memory_space<vmem>>)
      tpu.yield
    }) : () -> ()
    %dma_start3A = arith.constant 0 : i32
    %dma_start3A_3 = arith.constant 0 : i32
    %dma_start3A_4 = arith.constant 0 : i32
    %dma_start3A_5 = tpu.memref_slice %arg11[%dma_start3A, %dma_start3A_3, %dma_start3A_4] : memref<2x128x128xf32, #tpu.memory_space<vmem>> -> memref<1x128x128xf32, #tpu.memory_space<vmem>>
    %dma_start3A_6 = tpu.memref_squeeze %dma_start3A_5 : memref<1x128x128xf32, #tpu.memory_space<vmem>> -> memref<128x128xf32, #tpu.memory_space<vmem>>
    %dma_start3A_7 = arith.constant 0 : i32
    %dma_start3A_8 = tpu.memref_slice %arg8[%dma_start3A_7] : memref<512xi32, #tpu.memory_space<vmem>> -> memref<128xi32, #tpu.memory_space<vmem>>
    %dma_start3A_9 = arith.constant 0 : i32
    %dma_start3A_10 = arith.constant 0 : i32
    %dma_start3A_11 = tpu.memref_slice %arg2[%dma_start3A_9, %dma_start3A_10] : memref<1000000x128xf32, #tpu.memory_space<hbm>> -> memref<1000000x128xf32, #tpu.memory_space<hbm>>
    tpu.enqueue_indirect_dma source(%dma_start3A_11 : memref<1000000x128xf32, #tpu.memory_space<hbm>>) target(%dma_start3A_6 : memref<128x128xf32, #tpu.memory_space<vmem>>) offsets(%dma_start3A_8 : memref<128xi32, #tpu.memory_space<vmem>>) semaphore(%arg16 : memref<!tpu.dma_semaphore, #tpu.memory_space<semaphore_mem>>)
    %dma_start3A_12 = arith.constant 0 : i32
    %dma_start3A_13 = arith.constant 0 : i32
    %dma_start3A_14 = arith.constant 0 : i32
    %dma_start3A_15 = tpu.memref_slice %arg13[%dma_start3A_12, %dma_start3A_13, %dma_start3A_14] : memref<2x128x128xf32, #tpu.memory_space<vmem>> -> memref<1x128x128xf32, #tpu.memory_space<vmem>>
    %dma_start3A_16 = tpu.memref_squeeze %dma_start3A_15 : memref<1x128x128xf32, #tpu.memory_space<vmem>> -> memref<128x128xf32, #tpu.memory_space<vmem>>
    %dma_start3A_17 = arith.constant 0 : i32
    %dma_start3A_18 = tpu.memref_slice %arg10[%dma_start3A_17] : memref<512xi32, #tpu.memory_space<vmem>> -> memref<128xi32, #tpu.memory_space<vmem>>
    %dma_start3A_19 = arith.constant 0 : i32
    %dma_start3A_20 = arith.constant 0 : i32
    %dma_start3A_21 = tpu.memref_slice %arg2[%dma_start3A_19, %dma_start3A_20] : memref<1000000x128xf32, #tpu.memory_space<hbm>> -> memref<1000000x128xf32, #tpu.memory_space<hbm>>
    tpu.enqueue_indirect_dma source(%dma_start3A_21 : memref<1000000x128xf32, #tpu.memory_space<hbm>>) target(%dma_start3A_16 : memref<128x128xf32, #tpu.memory_space<vmem>>) offsets(%dma_start3A_18 : memref<128xi32, #tpu.memory_space<vmem>>) semaphore(%arg16 : memref<!tpu.dma_semaphore, #tpu.memory_space<semaphore_mem>>)
    %dma_start3A_22 = arith.constant 0 : i32
    %dma_start3A_23 = arith.constant 0 : i32
    %dma_start3A_24 = arith.constant 0 : i32
    %dma_start3A_25 = tpu.memref_slice %arg12[%dma_start3A_22, %dma_start3A_23, %dma_start3A_24] : memref<2x128x64xf32, #tpu.memory_space<vmem>> -> memref<1x128x64xf32, #tpu.memory_space<vmem>>
    %dma_start3A_26 = tpu.memref_squeeze %dma_start3A_25 : memref<1x128x64xf32, #tpu.memory_space<vmem>> -> memref<128x64xf32, #tpu.memory_space<vmem>>
    %dma_start3A_27 = arith.constant 0 : i32
    %dma_start3A_28 = tpu.memref_slice %arg9[%dma_start3A_27] : memref<512xi32, #tpu.memory_space<vmem>> -> memref<128xi32, #tpu.memory_space<vmem>>
    %dma_start3A_29 = arith.constant 0 : i32
    %dma_start3A_30 = arith.constant 0 : i32
    %dma_start3A_31 = tpu.memref_slice %arg3[%dma_start3A_29, %dma_start3A_30] : memref<1000x64xf32, #tpu.memory_space<hbm>> -> memref<1000x64xf32, #tpu.memory_space<hbm>>
    tpu.enqueue_indirect_dma source(%dma_start3A_31 : memref<1000x64xf32, #tpu.memory_space<hbm>>) target(%dma_start3A_26 : memref<128x64xf32, #tpu.memory_space<vmem>>) offsets(%dma_start3A_28 : memref<128xi32, #tpu.memory_space<vmem>>) semaphore(%arg16 : memref<!tpu.dma_semaphore, #tpu.memory_space<semaphore_mem>>)
    %dma_start3A_32 = arith.constant 1 : i32
    %dma_start3A_33 = arith.constant 0 : i32
    %dma_start3A_34 = arith.constant 0 : i32
    %dma_start3A_35 = tpu.memref_slice %arg11[%dma_start3A_32, %dma_start3A_33, %dma_start3A_34] : memref<2x128x128xf32, #tpu.memory_space<vmem>> -> memref<1x128x128xf32, #tpu.memory_space<vmem>>
    %dma_start3A_36 = tpu.memref_squeeze %dma_start3A_35 : memref<1x128x128xf32, #tpu.memory_space<vmem>> -> memref<128x128xf32, #tpu.memory_space<vmem>>
    %dma_start3A_37 = arith.constant 128 : i32
    %dma_start3A_38 = tpu.memref_slice %arg8[%dma_start3A_37] : memref<512xi32, #tpu.memory_space<vmem>> -> memref<128xi32, #tpu.memory_space<vmem>>
    %dma_start3A_39 = arith.constant 0 : i32
    %dma_start3A_40 = arith.constant 0 : i32
    %dma_start3A_41 = tpu.memref_slice %arg2[%dma_start3A_39, %dma_start3A_40] : memref<1000000x128xf32, #tpu.memory_space<hbm>> -> memref<1000000x128xf32, #tpu.memory_space<hbm>>
    tpu.enqueue_indirect_dma source(%dma_start3A_41 : memref<1000000x128xf32, #tpu.memory_space<hbm>>) target(%dma_start3A_36 : memref<128x128xf32, #tpu.memory_space<vmem>>) offsets(%dma_start3A_38 : memref<128xi32, #tpu.memory_space<vmem>>) semaphore(%arg17 : memref<!tpu.dma_semaphore, #tpu.memory_space<semaphore_mem>>)
    %dma_start3A_42 = arith.constant 1 : i32
    %dma_start3A_43 = arith.constant 0 : i32
    %dma_start3A_44 = arith.constant 0 : i32
    %dma_start3A_45 = tpu.memref_slice %arg13[%dma_start3A_42, %dma_start3A_43, %dma_start3A_44] : memref<2x128x128xf32, #tpu.memory_space<vmem>> -> memref<1x128x128xf32, #tpu.memory_space<vmem>>
    %dma_start3A_46 = tpu.memref_squeeze %dma_start3A_45 : memref<1x128x128xf32, #tpu.memory_space<vmem>> -> memref<128x128xf32, #tpu.memory_space<vmem>>
    %dma_start3A_47 = arith.constant 128 : i32
    %dma_start3A_48 = tpu.memref_slice %arg10[%dma_start3A_47] : memref<512xi32, #tpu.memory_space<vmem>> -> memref<128xi32, #tpu.memory_space<vmem>>
    %dma_start3A_49 = arith.constant 0 : i32
    %dma_start3A_50 = arith.constant 0 : i32
    %dma_start3A_51 = tpu.memref_slice %arg2[%dma_start3A_49, %dma_start3A_50] : memref<1000000x128xf32, #tpu.memory_space<hbm>> -> memref<1000000x128xf32, #tpu.memory_space<hbm>>
    tpu.enqueue_indirect_dma source(%dma_start3A_51 : memref<1000000x128xf32, #tpu.memory_space<hbm>>) target(%dma_start3A_46 : memref<128x128xf32, #tpu.memory_space<vmem>>) offsets(%dma_start3A_48 : memref<128xi32, #tpu.memory_space<vmem>>) semaphore(%arg17 : memref<!tpu.dma_semaphore, #tpu.memory_space<semaphore_mem>>)
    %dma_start3A_52 = arith.constant 1 : i32
    %dma_start3A_53 = arith.constant 0 : i32
    %dma_start3A_54 = arith.constant 0 : i32
    %dma_start3A_55 = tpu.memref_slice %arg12[%dma_start3A_52, %dma_start3A_53, %dma_start3A_54] : memref<2x128x64xf32, #tpu.memory_space<vmem>> -> memref<1x128x64xf32, #tpu.memory_space<vmem>>
    %dma_start3A_56 = tpu.memref_squeeze %dma_start3A_55 : memref<1x128x64xf32, #tpu.memory_space<vmem>> -> memref<128x64xf32, #tpu.memory_space<vmem>>
    %dma_start3A_57 = arith.constant 128 : i32
    %dma_start3A_58 = tpu.memref_slice %arg9[%dma_start3A_57] : memref<512xi32, #tpu.memory_space<vmem>> -> memref<128xi32, #tpu.memory_space<vmem>>
    %dma_start3A_59 = arith.constant 0 : i32
    %dma_start3A_60 = arith.constant 0 : i32
    %dma_start3A_61 = tpu.memref_slice %arg3[%dma_start3A_59, %dma_start3A_60] : memref<1000x64xf32, #tpu.memory_space<hbm>> -> memref<1000x64xf32, #tpu.memory_space<hbm>>
    tpu.enqueue_indirect_dma source(%dma_start3A_61 : memref<1000x64xf32, #tpu.memory_space<hbm>>) target(%dma_start3A_56 : memref<128x64xf32, #tpu.memory_space<vmem>>) offsets(%dma_start3A_58 : memref<128xi32, #tpu.memory_space<vmem>>) semaphore(%arg17 : memref<!tpu.dma_semaphore, #tpu.memory_space<semaphore_mem>>)
    %dma_wait3A = arith.constant 0 : i32
    %dma_wait3A_62 = arith.constant 0 : i32
    %dma_wait3A_63 = arith.constant 0 : i32
    %dma_wait3A_64 = tpu.memref_slice %arg11[%dma_wait3A, %dma_wait3A_62, %dma_wait3A_63] : memref<2x128x128xf32, #tpu.memory_space<vmem>> -> memref<1x128x128xf32, #tpu.memory_space<vmem>>
    %dma_wait3A_65 = tpu.memref_squeeze %dma_wait3A_64 : memref<1x128x128xf32, #tpu.memory_space<vmem>> -> memref<128x128xf32, #tpu.memory_space<vmem>>
    %dma_wait3A_66 = arith.constant 0 : i32
    %dma_wait3A_67 = tpu.memref_slice %arg8[%dma_wait3A_66] : memref<512xi32, #tpu.memory_space<vmem>> -> memref<128xi32, #tpu.memory_space<vmem>>
    %dma_wait3A_68 = arith.constant 0 : i32
    %dma_wait3A_69 = arith.constant 0 : i32
    %dma_wait3A_70 = tpu.memref_slice %arg2[%dma_wait3A_68, %dma_wait3A_69] : memref<1000000x128xf32, #tpu.memory_space<hbm>> -> memref<1000000x128xf32, #tpu.memory_space<hbm>>
    tpu.wait_indirect_dma semaphore(%arg16 : memref<!tpu.dma_semaphore, #tpu.memory_space<semaphore_mem>>) src(%dma_wait3A_70 : memref<1000000x128xf32, #tpu.memory_space<hbm>>) dst(%dma_wait3A_65 : memref<128x128xf32, #tpu.memory_space<vmem>>)
    %dma_wait3A_71 = arith.constant 0 : i32
    %dma_wait3A_72 = arith.constant 0 : i32
    %dma_wait3A_73 = arith.constant 0 : i32
    %dma_wait3A_74 = tpu.memref_slice %arg13[%dma_wait3A_71, %dma_wait3A_72, %dma_wait3A_73] : memref<2x128x128xf32, #tpu.memory_space<vmem>> -> memref<1x128x128xf32, #tpu.memory_space<vmem>>
    %dma_wait3A_75 = tpu.memref_squeeze %dma_wait3A_74 : memref<1x128x128xf32, #tpu.memory_space<vmem>> -> memref<128x128xf32, #tpu.memory_space<vmem>>
    %dma_wait3A_76 = arith.constant 0 : i32
    %dma_wait3A_77 = tpu.memref_slice %arg10[%dma_wait3A_76] : memref<512xi32, #tpu.memory_space<vmem>> -> memref<128xi32, #tpu.memory_space<vmem>>
    %dma_wait3A_78 = arith.constant 0 : i32
    %dma_wait3A_79 = arith.constant 0 : i32
    %dma_wait3A_80 = tpu.memref_slice %arg2[%dma_wait3A_78, %dma_wait3A_79] : memref<1000000x128xf32, #tpu.memory_space<hbm>> -> memref<1000000x128xf32, #tpu.memory_space<hbm>>
    tpu.wait_indirect_dma semaphore(%arg16 : memref<!tpu.dma_semaphore, #tpu.memory_space<semaphore_mem>>) src(%dma_wait3A_80 : memref<1000000x128xf32, #tpu.memory_space<hbm>>) dst(%dma_wait3A_75 : memref<128x128xf32, #tpu.memory_space<vmem>>)
    %dma_wait3A_81 = arith.constant 0 : i32
    %dma_wait3A_82 = arith.constant 0 : i32
    %dma_wait3A_83 = arith.constant 0 : i32
    %dma_wait3A_84 = tpu.memref_slice %arg12[%dma_wait3A_81, %dma_wait3A_82, %dma_wait3A_83] : memref<2x128x64xf32, #tpu.memory_space<vmem>> -> memref<1x128x64xf32, #tpu.memory_space<vmem>>
    %dma_wait3A_85 = tpu.memref_squeeze %dma_wait3A_84 : memref<1x128x64xf32, #tpu.memory_space<vmem>> -> memref<128x64xf32, #tpu.memory_space<vmem>>
    %dma_wait3A_86 = arith.constant 0 : i32
    %dma_wait3A_87 = tpu.memref_slice %arg9[%dma_wait3A_86] : memref<512xi32, #tpu.memory_space<vmem>> -> memref<128xi32, #tpu.memory_space<vmem>>
    %dma_wait3A_88 = arith.constant 0 : i32
    %dma_wait3A_89 = arith.constant 0 : i32
    %dma_wait3A_90 = tpu.memref_slice %arg3[%dma_wait3A_88, %dma_wait3A_89] : memref<1000x64xf32, #tpu.memory_space<hbm>> -> memref<1000x64xf32, #tpu.memory_space<hbm>>
    tpu.wait_indirect_dma semaphore(%arg16 : memref<!tpu.dma_semaphore, #tpu.memory_space<semaphore_mem>>) src(%dma_wait3A_90 : memref<1000x64xf32, #tpu.memory_space<hbm>>) dst(%dma_wait3A_85 : memref<128x64xf32, #tpu.memory_space<vmem>>)
    %scan3A = arith.constant 0 : i32
    %scan3A_91 = arith.constant 0 : i32
    %scan3A_92 = arith.constant 0 : i32
    %scan3A_93 = arith.constant 0 : i32
    %scan3A_94 = arith.constant 128 : i32
    %scan3A_95 = arith.addi %scan3A_93, %scan3A_94 : i32
    %scan3A_96 = arith.constant 1 : i32
    scf.for %scan3A_277 = %scan3A_93 to %scan3A_95 step %scan3A_96  : i32 {
      %mul3A_278 = arith.constant 1 : i32
      %mul3A_279 = arith.muli %scan3A_277, %mul3A_278 : i32
      %add3A_280 = arith.constant 0 : i32
      %add3A_281 = arith.addi %add3A_280, %mul3A_279 : i32
      %get3A = arith.constant 0 : i32
      %get3A_282 = arith.constant 0 : i32
      %get3A_283 = tpu.memref_slice %arg11[%scan3A, %get3A, %get3A_282] : memref<2x128x128xf32, #tpu.memory_space<vmem>> -> memref<1x128x128xf32, #tpu.memory_space<vmem>>
      %get3A_284 = tpu.memref_squeeze %get3A_283 : memref<1x128x128xf32, #tpu.memory_space<vmem>> -> memref<128x128xf32, #tpu.memory_space<vmem>>
      %get3A_285 = arith.index_cast %add3A_281 : i32 to index
      %get3A_286 = arith.constant 0 : index
      %get3A_287 = tpu.vector_load %get3A_284[%get3A_285, %get3A_286] {strides = array<i32>} : memref<128x128xf32, #tpu.memory_space<vmem>>, vector<16xf32>,
      %get3A_288 = arith.constant 0 : i32
      %get3A_289 = arith.constant 0 : i32
      %get3A_290 = tpu.memref_slice %arg12[%scan3A_91, %get3A_288, %get3A_289] : memref<2x128x64xf32, #tpu.memory_space<vmem>> -> memref<1x128x64xf32, #tpu.memory_space<vmem>>
      %get3A_291 = tpu.memref_squeeze %get3A_290 : memref<1x128x64xf32, #tpu.memory_space<vmem>> -> memref<128x64xf32, #tpu.memory_space<vmem>>
      %get3A_292 = arith.index_cast %add3A_281 : i32 to index
      %get3A_293 = arith.constant 0 : index
      %get3A_294 = tpu.vector_load %get3A_291[%get3A_292, %get3A_293] {strides = array<i32>} : memref<128x64xf32, #tpu.memory_space<vmem>>, vector<16xf32>,
      %mul3A_295 = arith.mulf %get3A_287, %get3A_294 : vector<16xf32>
      %get3A_296 = arith.constant 0 : i32
      %get3A_297 = arith.constant 0 : i32
      %get3A_298 = tpu.memref_slice %arg13[%scan3A_92, %get3A_296, %get3A_297] : memref<2x128x128xf32, #tpu.memory_space<vmem>> -> memref<1x128x128xf32, #tpu.memory_space<vmem>>
      %get3A_299 = tpu.memref_squeeze %get3A_298 : memref<1x128x128xf32, #tpu.memory_space<vmem>> -> memref<128x128xf32, #tpu.memory_space<vmem>>
      %get3A_300 = arith.index_cast %add3A_281 : i32 to index
      %get3A_301 = arith.constant 0 : index
      %get3A_302 = tpu.vector_load %get3A_299[%get3A_300, %get3A_301] {strides = array<i32>} : memref<128x128xf32, #tpu.memory_space<vmem>>, vector<16xf32>,
      %mul3A_303 = arith.mulf %mul3A_295, %get3A_302 : vector<16xf32>
      %get3A_304 = arith.constant 0 : i32
      %get3A_305 = arith.constant 0 : i32
      %get3A_306 = tpu.memref_slice %arg11[%scan3A, %get3A_304, %get3A_305] : memref<2x128x128xf32, #tpu.memory_space<vmem>> -> memref<1x128x128xf32, #tpu.memory_space<vmem>>
      %get3A_307 = tpu.memref_squeeze %get3A_306 : memref<1x128x128xf32, #tpu.memory_space<vmem>> -> memref<128x128xf32, #tpu.memory_space<vmem>>
      %get3A_308 = arith.index_cast %add3A_281 : i32 to index
      %get3A_309 = arith.constant 16 : index
      %get3A_310 = tpu.vector_load %get3A_307[%get3A_308, %get3A_309] {strides = array<i32>} : memref<128x128xf32, #tpu.memory_space<vmem>>, vector<16xf32>,
      %get3A_311 = arith.constant 0 : i32
      %get3A_312 = arith.constant 0 : i32
      %get3A_313 = tpu.memref_slice %arg12[%scan3A_91, %get3A_311, %get3A_312] : memref<2x128x64xf32, #tpu.memory_space<vmem>> -> memref<1x128x64xf32, #tpu.memory_space<vmem>>
      %get3A_314 = tpu.memref_squeeze %get3A_313 : memref<1x128x64xf32, #tpu.memory_space<vmem>> -> memref<128x64xf32, #tpu.memory_space<vmem>>
      %get3A_315 = arith.index_cast %add3A_281 : i32 to index
      %get3A_316 = arith.constant 16 : index
      %get3A_317 = tpu.vector_load %get3A_314[%get3A_315, %get3A_316] {strides = array<i32>} : memref<128x64xf32, #tpu.memory_space<vmem>>, vector<16xf32>,
      %mul3A_318 = arith.mulf %get3A_310, %get3A_317 : vector<16xf32>
      %get3A_319 = arith.constant 0 : i32
      %get3A_320 = arith.constant 0 : i32
      %get3A_321 = tpu.memref_slice %arg13[%scan3A_92, %get3A_319, %get3A_320] : memref<2x128x128xf32, #tpu.memory_space<vmem>> -> memref<1x128x128xf32, #tpu.memory_space<vmem>>
      %get3A_322 = tpu.memref_squeeze %get3A_321 : memref<1x128x128xf32, #tpu.memory_space<vmem>> -> memref<128x128xf32, #tpu.memory_space<vmem>>
      %get3A_323 = arith.index_cast %add3A_281 : i32 to index
      %get3A_324 = arith.constant 16 : index
      %get3A_325 = tpu.vector_load %get3A_322[%get3A_323, %get3A_324] {strides = array<i32>} : memref<128x128xf32, #tpu.memory_space<vmem>>, vector<16xf32>,
      %mul3A_326 = arith.mulf %mul3A_318, %get3A_325 : vector<16xf32>
      %add3A_327 = arith.addf %mul3A_303, %mul3A_326 : vector<16xf32>
      %get3A_328 = arith.constant 0 : i32
      %get3A_329 = arith.constant 0 : i32
      %get3A_330 = tpu.memref_slice %arg11[%scan3A, %get3A_328, %get3A_329] : memref<2x128x128xf32, #tpu.memory_space<vmem>> -> memref<1x128x128xf32, #tpu.memory_space<vmem>>
      %get3A_331 = tpu.memref_squeeze %get3A_330 : memref<1x128x128xf32, #tpu.memory_space<vmem>> -> memref<128x128xf32, #tpu.memory_space<vmem>>
      %get3A_332 = arith.index_cast %add3A_281 : i32 to index
      %get3A_333 = arith.constant 32 : index
      %get3A_334 = tpu.vector_load %get3A_331[%get3A_332, %get3A_333] {strides = array<i32>} : memref<128x128xf32, #tpu.memory_space<vmem>>, vector<16xf32>,
      %get3A_335 = arith.constant 0 : i32
      %get3A_336 = arith.constant 0 : i32
      %get3A_337 = tpu.memref_slice %arg12[%scan3A_91, %get3A_335, %get3A_336] : memref<2x128x64xf32, #tpu.memory_space<vmem>> -> memref<1x128x64xf32, #tpu.memory_space<vmem>>
      %get3A_338 = tpu.memref_squeeze %get3A_337 : memref<1x128x64xf32, #tpu.memory_space<vmem>> -> memref<128x64xf32, #tpu.memory_space<vmem>>
      %get3A_339 = arith.index_cast %add3A_281 : i32 to index
      %get3A_340 = arith.constant 32 : index
      %get3A_341 = tpu.vector_load %get3A_338[%get3A_339, %get3A_340] {strides = array<i32>} : memref<128x64xf32, #tpu.memory_space<vmem>>, vector<16xf32>,
      %mul3A_342 = arith.mulf %get3A_334, %get3A_341 : vector<16xf32>
      %get3A_343 = arith.constant 0 : i32
      %get3A_344 = arith.constant 0 : i32
      %get3A_345 = tpu.memref_slice %arg13[%scan3A_92, %get3A_343, %get3A_344] : memref<2x128x128xf32, #tpu.memory_space<vmem>> -> memref<1x128x128xf32, #tpu.memory_space<vmem>>
      %get3A_346 = tpu.memref_squeeze %get3A_345 : memref<1x128x128xf32, #tpu.memory_space<vmem>> -> memref<128x128xf32, #tpu.memory_space<vmem>>
      %get3A_347 = arith.index_cast %add3A_281 : i32 to index
      %get3A_348 = arith.constant 32 : index
      %get3A_349 = tpu.vector_load %get3A_346[%get3A_347, %get3A_348] {strides = array<i32>} : memref<128x128xf32, #tpu.memory_space<vmem>>, vector<16xf32>,
      %mul3A_350 = arith.mulf %mul3A_342, %get3A_349 : vector<16xf32>
      %add3A_351 = arith.addf %add3A_327, %mul3A_350 : vector<16xf32>
      %get3A_352 = arith.constant 0 : i32
      %get3A_353 = arith.constant 0 : i32
      %get3A_354 = tpu.memref_slice %arg11[%scan3A, %get3A_352, %get3A_353] : memref<2x128x128xf32, #tpu.memory_space<vmem>> -> memref<1x128x128xf32, #tpu.memory_space<vmem>>
      %get3A_355 = tpu.memref_squeeze %get3A_354 : memref<1x128x128xf32, #tpu.memory_space<vmem>> -> memref<128x128xf32, #tpu.memory_space<vmem>>
      %get3A_356 = arith.index_cast %add3A_281 : i32 to index
      %get3A_357 = arith.constant 48 : index
      %get3A_358 = tpu.vector_load %get3A_355[%get3A_356, %get3A_357] {strides = array<i32>} : memref<128x128xf32, #tpu.memory_space<vmem>>, vector<16xf32>,
      %get3A_359 = arith.constant 0 : i32
      %get3A_360 = arith.constant 0 : i32
      %get3A_361 = tpu.memref_slice %arg12[%scan3A_91, %get3A_359, %get3A_360] : memref<2x128x64xf32, #tpu.memory_space<vmem>> -> memref<1x128x64xf32, #tpu.memory_space<vmem>>
      %get3A_362 = tpu.memref_squeeze %get3A_361 : memref<1x128x64xf32, #tpu.memory_space<vmem>> -> memref<128x64xf32, #tpu.memory_space<vmem>>
      %get3A_363 = arith.index_cast %add3A_281 : i32 to index
      %get3A_364 = arith.constant 48 : index
      %get3A_365 = tpu.vector_load %get3A_362[%get3A_363, %get3A_364] {strides = array<i32>} : memref<128x64xf32, #tpu.memory_space<vmem>>, vector<16xf32>,
      %mul3A_366 = arith.mulf %get3A_358, %get3A_365 : vector<16xf32>
      %get3A_367 = arith.constant 0 : i32
      %get3A_368 = arith.constant 0 : i32
      %get3A_369 = tpu.memref_slice %arg13[%scan3A_92, %get3A_367, %get3A_368] : memref<2x128x128xf32, #tpu.memory_space<vmem>> -> memref<1x128x128xf32, #tpu.memory_space<vmem>>
      %get3A_370 = tpu.memref_squeeze %get3A_369 : memref<1x128x128xf32, #tpu.memory_space<vmem>> -> memref<128x128xf32, #tpu.memory_space<vmem>>
      %get3A_371 = arith.index_cast %add3A_281 : i32 to index
      %get3A_372 = arith.constant 48 : index
      %get3A_373 = tpu.vector_load %get3A_370[%get3A_371, %get3A_372] {strides = array<i32>} : memref<128x128xf32, #tpu.memory_space<vmem>>, vector<16xf32>,
      %mul3A_374 = arith.mulf %mul3A_366, %get3A_373 : vector<16xf32>
      %add3A_375 = arith.addf %add3A_351, %mul3A_374 : vector<16xf32>
      %add3A_376 = arith.constant 0 : i32
      %add3A_377 = arith.addi %add3A_376, %add3A_281 : i32
      %swap3A = arith.index_cast %add3A_377 : i32 to index
      %swap3A_378 = arith.constant 0 : index
      %swap3A_379 = tpu.vector_load %arg14[%swap3A, %swap3A_378] {strides = array<i32>} : memref<512x16xf32, #tpu.memory_space<vmem>>, vector<16xf32>,
      tpu.vector_store %arg14[%swap3A, %swap3A_378], %add3A_375 {strides = array<i32>} : memref<512x16xf32, #tpu.memory_space<vmem>>, vector<16xf32>,
    }
    %scan3A_97 = arith.constant 128 : i32
    %dma_start3A_98 = arith.constant 0 : i32
    %dma_start3A_99 = arith.constant 0 : i32
    %dma_start3A_100 = arith.constant 0 : i32
    %dma_start3A_101 = tpu.memref_slice %arg11[%dma_start3A_98, %dma_start3A_99, %dma_start3A_100] : memref<2x128x128xf32, #tpu.memory_space<vmem>> -> memref<1x128x128xf32, #tpu.memory_space<vmem>>
    %dma_start3A_102 = tpu.memref_squeeze %dma_start3A_101 : memref<1x128x128xf32, #tpu.memory_space<vmem>> -> memref<128x128xf32, #tpu.memory_space<vmem>>
    %dma_start3A_103 = arith.constant 256 : i32
    %dma_start3A_104 = tpu.memref_slice %arg8[%dma_start3A_103] : memref<512xi32, #tpu.memory_space<vmem>> -> memref<128xi32, #tpu.memory_space<vmem>>
    %dma_start3A_105 = arith.constant 0 : i32
    %dma_start3A_106 = arith.constant 0 : i32
    %dma_start3A_107 = tpu.memref_slice %arg2[%dma_start3A_105, %dma_start3A_106] : memref<1000000x128xf32, #tpu.memory_space<hbm>> -> memref<1000000x128xf32, #tpu.memory_space<hbm>>
    tpu.enqueue_indirect_dma source(%dma_start3A_107 : memref<1000000x128xf32, #tpu.memory_space<hbm>>) target(%dma_start3A_102 : memref<128x128xf32, #tpu.memory_space<vmem>>) offsets(%dma_start3A_104 : memref<128xi32, #tpu.memory_space<vmem>>) semaphore(%arg16 : memref<!tpu.dma_semaphore, #tpu.memory_space<semaphore_mem>>)
    %dma_start3A_108 = arith.constant 0 : i32
    %dma_start3A_109 = arith.constant 0 : i32
    %dma_start3A_110 = arith.constant 0 : i32
    %dma_start3A_111 = tpu.memref_slice %arg13[%dma_start3A_108, %dma_start3A_109, %dma_start3A_110] : memref<2x128x128xf32, #tpu.memory_space<vmem>> -> memref<1x128x128xf32, #tpu.memory_space<vmem>>
    %dma_start3A_112 = tpu.memref_squeeze %dma_start3A_111 : memref<1x128x128xf32, #tpu.memory_space<vmem>> -> memref<128x128xf32, #tpu.memory_space<vmem>>
    %dma_start3A_113 = arith.constant 256 : i32
    %dma_start3A_114 = tpu.memref_slice %arg10[%dma_start3A_113] : memref<512xi32, #tpu.memory_space<vmem>> -> memref<128xi32, #tpu.memory_space<vmem>>
    %dma_start3A_115 = arith.constant 0 : i32
    %dma_start3A_116 = arith.constant 0 : i32
    %dma_start3A_117 = tpu.memref_slice %arg2[%dma_start3A_115, %dma_start3A_116] : memref<1000000x128xf32, #tpu.memory_space<hbm>> -> memref<1000000x128xf32, #tpu.memory_space<hbm>>
    tpu.enqueue_indirect_dma source(%dma_start3A_117 : memref<1000000x128xf32, #tpu.memory_space<hbm>>) target(%dma_start3A_112 : memref<128x128xf32, #tpu.memory_space<vmem>>) offsets(%dma_start3A_114 : memref<128xi32, #tpu.memory_space<vmem>>) semaphore(%arg16 : memref<!tpu.dma_semaphore, #tpu.memory_space<semaphore_mem>>)
    %dma_start3A_118 = arith.constant 0 : i32
    %dma_start3A_119 = arith.constant 0 : i32
    %dma_start3A_120 = arith.constant 0 : i32
    %dma_start3A_121 = tpu.memref_slice %arg12[%dma_start3A_118, %dma_start3A_119, %dma_start3A_120] : memref<2x128x64xf32, #tpu.memory_space<vmem>> -> memref<1x128x64xf32, #tpu.memory_space<vmem>>
    %dma_start3A_122 = tpu.memref_squeeze %dma_start3A_121 : memref<1x128x64xf32, #tpu.memory_space<vmem>> -> memref<128x64xf32, #tpu.memory_space<vmem>>
    %dma_start3A_123 = arith.constant 256 : i32
    %dma_start3A_124 = tpu.memref_slice %arg9[%dma_start3A_123] : memref<512xi32, #tpu.memory_space<vmem>> -> memref<128xi32, #tpu.memory_space<vmem>>
    %dma_start3A_125 = arith.constant 0 : i32
    %dma_start3A_126 = arith.constant 0 : i32
    %dma_start3A_127 = tpu.memref_slice %arg3[%dma_start3A_125, %dma_start3A_126] : memref<1000x64xf32, #tpu.memory_space<hbm>> -> memref<1000x64xf32, #tpu.memory_space<hbm>>
    tpu.enqueue_indirect_dma source(%dma_start3A_127 : memref<1000x64xf32, #tpu.memory_space<hbm>>) target(%dma_start3A_122 : memref<128x64xf32, #tpu.memory_space<vmem>>) offsets(%dma_start3A_124 : memref<128xi32, #tpu.memory_space<vmem>>) semaphore(%arg16 : memref<!tpu.dma_semaphore, #tpu.memory_space<semaphore_mem>>)
    %dma_wait3A_128 = arith.constant 1 : i32
    %dma_wait3A_129 = arith.constant 0 : i32
    %dma_wait3A_130 = arith.constant 0 : i32
    %dma_wait3A_131 = tpu.memref_slice %arg11[%dma_wait3A_128, %dma_wait3A_129, %dma_wait3A_130] : memref<2x128x128xf32, #tpu.memory_space<vmem>> -> memref<1x128x128xf32, #tpu.memory_space<vmem>>
    %dma_wait3A_132 = tpu.memref_squeeze %dma_wait3A_131 : memref<1x128x128xf32, #tpu.memory_space<vmem>> -> memref<128x128xf32, #tpu.memory_space<vmem>>
    %dma_wait3A_133 = arith.constant 128 : i32
    %dma_wait3A_134 = tpu.memref_slice %arg8[%dma_wait3A_133] : memref<512xi32, #tpu.memory_space<vmem>> -> memref<128xi32, #tpu.memory_space<vmem>>
    %dma_wait3A_135 = arith.constant 0 : i32
    %dma_wait3A_136 = arith.constant 0 : i32
    %dma_wait3A_137 = tpu.memref_slice %arg2[%dma_wait3A_135, %dma_wait3A_136] : memref<1000000x128xf32, #tpu.memory_space<hbm>> -> memref<1000000x128xf32, #tpu.memory_space<hbm>>
    tpu.wait_indirect_dma semaphore(%arg17 : memref<!tpu.dma_semaphore, #tpu.memory_space<semaphore_mem>>) src(%dma_wait3A_137 : memref<1000000x128xf32, #tpu.memory_space<hbm>>) dst(%dma_wait3A_132 : memref<128x128xf32, #tpu.memory_space<vmem>>)
    %dma_wait3A_138 = arith.constant 1 : i32
    %dma_wait3A_139 = arith.constant 0 : i32
    %dma_wait3A_140 = arith.constant 0 : i32
    %dma_wait3A_141 = tpu.memref_slice %arg13[%dma_wait3A_138, %dma_wait3A_139, %dma_wait3A_140] : memref<2x128x128xf32, #tpu.memory_space<vmem>> -> memref<1x128x128xf32, #tpu.memory_space<vmem>>
    %dma_wait3A_142 = tpu.memref_squeeze %dma_wait3A_141 : memref<1x128x128xf32, #tpu.memory_space<vmem>> -> memref<128x128xf32, #tpu.memory_space<vmem>>
    %dma_wait3A_143 = arith.constant 128 : i32
    %dma_wait3A_144 = tpu.memref_slice %arg10[%dma_wait3A_143] : memref<512xi32, #tpu.memory_space<vmem>> -> memref<128xi32, #tpu.memory_space<vmem>>
    %dma_wait3A_145 = arith.constant 0 : i32
    %dma_wait3A_146 = arith.constant 0 : i32
    %dma_wait3A_147 = tpu.memref_slice %arg2[%dma_wait3A_145, %dma_wait3A_146] : memref<1000000x128xf32, #tpu.memory_space<hbm>> -> memref<1000000x128xf32, #tpu.memory_space<hbm>>
    tpu.wait_indirect_dma semaphore(%arg17 : memref<!tpu.dma_semaphore, #tpu.memory_space<semaphore_mem>>) src(%dma_wait3A_147 : memref<1000000x128xf32, #tpu.memory_space<hbm>>) dst(%dma_wait3A_142 : memref<128x128xf32, #tpu.memory_space<vmem>>)
    %dma_wait3A_148 = arith.constant 1 : i32
    %dma_wait3A_149 = arith.constant 0 : i32
    %dma_wait3A_150 = arith.constant 0 : i32
    %dma_wait3A_151 = tpu.memref_slice %arg12[%dma_wait3A_148, %dma_wait3A_149, %dma_wait3A_150] : memref<2x128x64xf32, #tpu.memory_space<vmem>> -> memref<1x128x64xf32, #tpu.memory_space<vmem>>
    %dma_wait3A_152 = tpu.memref_squeeze %dma_wait3A_151 : memref<1x128x64xf32, #tpu.memory_space<vmem>> -> memref<128x64xf32, #tpu.memory_space<vmem>>
    %dma_wait3A_153 = arith.constant 128 : i32
    %dma_wait3A_154 = tpu.memref_slice %arg9[%dma_wait3A_153] : memref<512xi32, #tpu.memory_space<vmem>> -> memref<128xi32, #tpu.memory_space<vmem>>
    %dma_wait3A_155 = arith.constant 0 : i32
    %dma_wait3A_156 = arith.constant 0 : i32
    %dma_wait3A_157 = tpu.memref_slice %arg3[%dma_wait3A_155, %dma_wait3A_156] : memref<1000x64xf32, #tpu.memory_space<hbm>> -> memref<1000x64xf32, #tpu.memory_space<hbm>>
    tpu.wait_indirect_dma semaphore(%arg17 : memref<!tpu.dma_semaphore, #tpu.memory_space<semaphore_mem>>) src(%dma_wait3A_157 : memref<1000x64xf32, #tpu.memory_space<hbm>>) dst(%dma_wait3A_152 : memref<128x64xf32, #tpu.memory_space<vmem>>)
    %scan3A_158 = arith.constant 1 : i32
    %scan3A_159 = arith.constant 1 : i32
    %scan3A_160 = arith.constant 1 : i32
    %scan3A_161 = arith.constant 0 : i32
    %scan3A_162 = arith.constant 128 : i32
    %scan3A_163 = arith.addi %scan3A_161, %scan3A_162 : i32
    %scan3A_164 = arith.constant 1 : i32
    scf.for %scan3A_277 = %scan3A_161 to %scan3A_163 step %scan3A_164  : i32 {
      %mul3A_278 = arith.constant 1 : i32
      %mul3A_279 = arith.muli %scan3A_277, %mul3A_278 : i32
      %add3A_280 = arith.constant 0 : i32
      %add3A_281 = arith.addi %add3A_280, %mul3A_279 : i32
      %get3A = arith.constant 0 : i32
      %get3A_282 = arith.constant 0 : i32
      %get3A_283 = tpu.memref_slice %arg11[%scan3A_158, %get3A, %get3A_282] : memref<2x128x128xf32, #tpu.memory_space<vmem>> -> memref<1x128x128xf32, #tpu.memory_space<vmem>>
      %get3A_284 = tpu.memref_squeeze %get3A_283 : memref<1x128x128xf32, #tpu.memory_space<vmem>> -> memref<128x128xf32, #tpu.memory_space<vmem>>
      %get3A_285 = arith.index_cast %add3A_281 : i32 to index
      %get3A_286 = arith.constant 0 : index
      %get3A_287 = tpu.vector_load %get3A_284[%get3A_285, %get3A_286] {strides = array<i32>} : memref<128x128xf32, #tpu.memory_space<vmem>>, vector<16xf32>,
      %get3A_288 = arith.constant 0 : i32
      %get3A_289 = arith.constant 0 : i32
      %get3A_290 = tpu.memref_slice %arg12[%scan3A_159, %get3A_288, %get3A_289] : memref<2x128x64xf32, #tpu.memory_space<vmem>> -> memref<1x128x64xf32, #tpu.memory_space<vmem>>
      %get3A_291 = tpu.memref_squeeze %get3A_290 : memref<1x128x64xf32, #tpu.memory_space<vmem>> -> memref<128x64xf32, #tpu.memory_space<vmem>>
      %get3A_292 = arith.index_cast %add3A_281 : i32 to index
      %get3A_293 = arith.constant 0 : index
      %get3A_294 = tpu.vector_load %get3A_291[%get3A_292, %get3A_293] {strides = array<i32>} : memref<128x64xf32, #tpu.memory_space<vmem>>, vector<16xf32>,
      %mul3A_295 = arith.mulf %get3A_287, %get3A_294 : vector<16xf32>
      %get3A_296 = arith.constant 0 : i32
      %get3A_297 = arith.constant 0 : i32
      %get3A_298 = tpu.memref_slice %arg13[%scan3A_160, %get3A_296, %get3A_297] : memref<2x128x128xf32, #tpu.memory_space<vmem>> -> memref<1x128x128xf32, #tpu.memory_space<vmem>>
      %get3A_299 = tpu.memref_squeeze %get3A_298 : memref<1x128x128xf32, #tpu.memory_space<vmem>> -> memref<128x128xf32, #tpu.memory_space<vmem>>
      %get3A_300 = arith.index_cast %add3A_281 : i32 to index
      %get3A_301 = arith.constant 0 : index
      %get3A_302 = tpu.vector_load %get3A_299[%get3A_300, %get3A_301] {strides = array<i32>} : memref<128x128xf32, #tpu.memory_space<vmem>>, vector<16xf32>,
      %mul3A_303 = arith.mulf %mul3A_295, %get3A_302 : vector<16xf32>
      %get3A_304 = arith.constant 0 : i32
      %get3A_305 = arith.constant 0 : i32
      %get3A_306 = tpu.memref_slice %arg11[%scan3A_158, %get3A_304, %get3A_305] : memref<2x128x128xf32, #tpu.memory_space<vmem>> -> memref<1x128x128xf32, #tpu.memory_space<vmem>>
      %get3A_307 = tpu.memref_squeeze %get3A_306 : memref<1x128x128xf32, #tpu.memory_space<vmem>> -> memref<128x128xf32, #tpu.memory_space<vmem>>
      %get3A_308 = arith.index_cast %add3A_281 : i32 to index
      %get3A_309 = arith.constant 16 : index
      %get3A_310 = tpu.vector_load %get3A_307[%get3A_308, %get3A_309] {strides = array<i32>} : memref<128x128xf32, #tpu.memory_space<vmem>>, vector<16xf32>,
      %get3A_311 = arith.constant 0 : i32
      %get3A_312 = arith.constant 0 : i32
      %get3A_313 = tpu.memref_slice %arg12[%scan3A_159, %get3A_311, %get3A_312] : memref<2x128x64xf32, #tpu.memory_space<vmem>> -> memref<1x128x64xf32, #tpu.memory_space<vmem>>
      %get3A_314 = tpu.memref_squeeze %get3A_313 : memref<1x128x64xf32, #tpu.memory_space<vmem>> -> memref<128x64xf32, #tpu.memory_space<vmem>>
      %get3A_315 = arith.index_cast %add3A_281 : i32 to index
      %get3A_316 = arith.constant 16 : index
      %get3A_317 = tpu.vector_load %get3A_314[%get3A_315, %get3A_316] {strides = array<i32>} : memref<128x64xf32, #tpu.memory_space<vmem>>, vector<16xf32>,
      %mul3A_318 = arith.mulf %get3A_310, %get3A_317 : vector<16xf32>
      %get3A_319 = arith.constant 0 : i32
      %get3A_320 = arith.constant 0 : i32
      %get3A_321 = tpu.memref_slice %arg13[%scan3A_160, %get3A_319, %get3A_320] : memref<2x128x128xf32, #tpu.memory_space<vmem>> -> memref<1x128x128xf32, #tpu.memory_space<vmem>>
      %get3A_322 = tpu.memref_squeeze %get3A_321 : memref<1x128x128xf32, #tpu.memory_space<vmem>> -> memref<128x128xf32, #tpu.memory_space<vmem>>
      %get3A_323 = arith.index_cast %add3A_281 : i32 to index
      %get3A_324 = arith.constant 16 : index
      %get3A_325 = tpu.vector_load %get3A_322[%get3A_323, %get3A_324] {strides = array<i32>} : memref<128x128xf32, #tpu.memory_space<vmem>>, vector<16xf32>,
      %mul3A_326 = arith.mulf %mul3A_318, %get3A_325 : vector<16xf32>
      %add3A_327 = arith.addf %mul3A_303, %mul3A_326 : vector<16xf32>
      %get3A_328 = arith.constant 0 : i32
      %get3A_329 = arith.constant 0 : i32
      %get3A_330 = tpu.memref_slice %arg11[%scan3A_158, %get3A_328, %get3A_329] : memref<2x128x128xf32, #tpu.memory_space<vmem>> -> memref<1x128x128xf32, #tpu.memory_space<vmem>>
      %get3A_331 = tpu.memref_squeeze %get3A_330 : memref<1x128x128xf32, #tpu.memory_space<vmem>> -> memref<128x128xf32, #tpu.memory_space<vmem>>
      %get3A_332 = arith.index_cast %add3A_281 : i32 to index
      %get3A_333 = arith.constant 32 : index
      %get3A_334 = tpu.vector_load %get3A_331[%get3A_332, %get3A_333] {strides = array<i32>} : memref<128x128xf32, #tpu.memory_space<vmem>>, vector<16xf32>,
      %get3A_335 = arith.constant 0 : i32
      %get3A_336 = arith.constant 0 : i32
      %get3A_337 = tpu.memref_slice %arg12[%scan3A_159, %get3A_335, %get3A_336] : memref<2x128x64xf32, #tpu.memory_space<vmem>> -> memref<1x128x64xf32, #tpu.memory_space<vmem>>
      %get3A_338 = tpu.memref_squeeze %get3A_337 : memref<1x128x64xf32, #tpu.memory_space<vmem>> -> memref<128x64xf32, #tpu.memory_space<vmem>>
      %get3A_339 = arith.index_cast %add3A_281 : i32 to index
      %get3A_340 = arith.constant 32 : index
      %get3A_341 = tpu.vector_load %get3A_338[%get3A_339, %get3A_340] {strides = array<i32>} : memref<128x64xf32, #tpu.memory_space<vmem>>, vector<16xf32>,
      %mul3A_342 = arith.mulf %get3A_334, %get3A_341 : vector<16xf32>
      %get3A_343 = arith.constant 0 : i32
      %get3A_344 = arith.constant 0 : i32
      %get3A_345 = tpu.memref_slice %arg13[%scan3A_160, %get3A_343, %get3A_344] : memref<2x128x128xf32, #tpu.memory_space<vmem>> -> memref<1x128x128xf32, #tpu.memory_space<vmem>>
      %get3A_346 = tpu.memref_squeeze %get3A_345 : memref<1x128x128xf32, #tpu.memory_space<vmem>> -> memref<128x128xf32, #tpu.memory_space<vmem>>
      %get3A_347 = arith.index_cast %add3A_281 : i32 to index
      %get3A_348 = arith.constant 32 : index
      %get3A_349 = tpu.vector_load %get3A_346[%get3A_347, %get3A_348] {strides = array<i32>} : memref<128x128xf32, #tpu.memory_space<vmem>>, vector<16xf32>,
      %mul3A_350 = arith.mulf %mul3A_342, %get3A_349 : vector<16xf32>
      %add3A_351 = arith.addf %add3A_327, %mul3A_350 : vector<16xf32>
      %get3A_352 = arith.constant 0 : i32
      %get3A_353 = arith.constant 0 : i32
      %get3A_354 = tpu.memref_slice %arg11[%scan3A_158, %get3A_352, %get3A_353] : memref<2x128x128xf32, #tpu.memory_space<vmem>> -> memref<1x128x128xf32, #tpu.memory_space<vmem>>
      %get3A_355 = tpu.memref_squeeze %get3A_354 : memref<1x128x128xf32, #tpu.memory_space<vmem>> -> memref<128x128xf32, #tpu.memory_space<vmem>>
      %get3A_356 = arith.index_cast %add3A_281 : i32 to index
      %get3A_357 = arith.constant 48 : index
      %get3A_358 = tpu.vector_load %get3A_355[%get3A_356, %get3A_357] {strides = array<i32>} : memref<128x128xf32, #tpu.memory_space<vmem>>, vector<16xf32>,
      %get3A_359 = arith.constant 0 : i32
      %get3A_360 = arith.constant 0 : i32
      %get3A_361 = tpu.memref_slice %arg12[%scan3A_159, %get3A_359, %get3A_360] : memref<2x128x64xf32, #tpu.memory_space<vmem>> -> memref<1x128x64xf32, #tpu.memory_space<vmem>>
      %get3A_362 = tpu.memref_squeeze %get3A_361 : memref<1x128x64xf32, #tpu.memory_space<vmem>> -> memref<128x64xf32, #tpu.memory_space<vmem>>
      %get3A_363 = arith.index_cast %add3A_281 : i32 to index
      %get3A_364 = arith.constant 48 : index
      %get3A_365 = tpu.vector_load %get3A_362[%get3A_363, %get3A_364] {strides = array<i32>} : memref<128x64xf32, #tpu.memory_space<vmem>>, vector<16xf32>,
      %mul3A_366 = arith.mulf %get3A_358, %get3A_365 : vector<16xf32>
      %get3A_367 = arith.constant 0 : i32
      %get3A_368 = arith.constant 0 : i32
      %get3A_369 = tpu.memref_slice %arg13[%scan3A_160, %get3A_367, %get3A_368] : memref<2x128x128xf32, #tpu.memory_space<vmem>> -> memref<1x128x128xf32, #tpu.memory_space<vmem>>
      %get3A_370 = tpu.memref_squeeze %get3A_369 : memref<1x128x128xf32, #tpu.memory_space<vmem>> -> memref<128x128xf32, #tpu.memory_space<vmem>>
      %get3A_371 = arith.index_cast %add3A_281 : i32 to index
      %get3A_372 = arith.constant 48 : index
      %get3A_373 = tpu.vector_load %get3A_370[%get3A_371, %get3A_372] {strides = array<i32>} : memref<128x128xf32, #tpu.memory_space<vmem>>, vector<16xf32>,
      %mul3A_374 = arith.mulf %mul3A_366, %get3A_373 : vector<16xf32>
      %add3A_375 = arith.addf %add3A_351, %mul3A_374 : vector<16xf32>
      %add3A_376 = arith.constant 128 : i32
      %add3A_377 = arith.addi %add3A_376, %add3A_281 : i32
      %swap3A = arith.index_cast %add3A_377 : i32 to index
      %swap3A_378 = arith.constant 0 : index
      %swap3A_379 = tpu.vector_load %arg14[%swap3A, %swap3A_378] {strides = array<i32>} : memref<512x16xf32, #tpu.memory_space<vmem>>, vector<16xf32>,
      tpu.vector_store %arg14[%swap3A, %swap3A_378], %add3A_375 {strides = array<i32>} : memref<512x16xf32, #tpu.memory_space<vmem>>, vector<16xf32>,
    }
    %scan3A_165 = arith.constant 128 : i32
    %dma_start3A_166 = arith.constant 1 : i32
    %dma_start3A_167 = arith.constant 0 : i32
    %dma_start3A_168 = arith.constant 0 : i32
    %dma_start3A_169 = tpu.memref_slice %arg11[%dma_start3A_166, %dma_start3A_167, %dma_start3A_168] : memref<2x128x128xf32, #tpu.memory_space<vmem>> -> memref<1x128x128xf32, #tpu.memory_space<vmem>>
    %dma_start3A_170 = tpu.memref_squeeze %dma_start3A_169 : memref<1x128x128xf32, #tpu.memory_space<vmem>> -> memref<128x128xf32, #tpu.memory_space<vmem>>
    %dma_start3A_171 = arith.constant 384 : i32
    %dma_start3A_172 = tpu.memref_slice %arg8[%dma_start3A_171] : memref<512xi32, #tpu.memory_space<vmem>> -> memref<128xi32, #tpu.memory_space<vmem>>
    %dma_start3A_173 = arith.constant 0 : i32
    %dma_start3A_174 = arith.constant 0 : i32
    %dma_start3A_175 = tpu.memref_slice %arg2[%dma_start3A_173, %dma_start3A_174] : memref<1000000x128xf32, #tpu.memory_space<hbm>> -> memref<1000000x128xf32, #tpu.memory_space<hbm>>
    tpu.enqueue_indirect_dma source(%dma_start3A_175 : memref<1000000x128xf32, #tpu.memory_space<hbm>>) target(%dma_start3A_170 : memref<128x128xf32, #tpu.memory_space<vmem>>) offsets(%dma_start3A_172 : memref<128xi32, #tpu.memory_space<vmem>>) semaphore(%arg17 : memref<!tpu.dma_semaphore, #tpu.memory_space<semaphore_mem>>)
    %dma_start3A_176 = arith.constant 1 : i32
    %dma_start3A_177 = arith.constant 0 : i32
    %dma_start3A_178 = arith.constant 0 : i32
    %dma_start3A_179 = tpu.memref_slice %arg13[%dma_start3A_176, %dma_start3A_177, %dma_start3A_178] : memref<2x128x128xf32, #tpu.memory_space<vmem>> -> memref<1x128x128xf32, #tpu.memory_space<vmem>>
    %dma_start3A_180 = tpu.memref_squeeze %dma_start3A_179 : memref<1x128x128xf32, #tpu.memory_space<vmem>> -> memref<128x128xf32, #tpu.memory_space<vmem>>
    %dma_start3A_181 = arith.constant 384 : i32
    %dma_start3A_182 = tpu.memref_slice %arg10[%dma_start3A_181] : memref<512xi32, #tpu.memory_space<vmem>> -> memref<128xi32, #tpu.memory_space<vmem>>
    %dma_start3A_183 = arith.constant 0 : i32
    %dma_start3A_184 = arith.constant 0 : i32
    %dma_start3A_185 = tpu.memref_slice %arg2[%dma_start3A_183, %dma_start3A_184] : memref<1000000x128xf32, #tpu.memory_space<hbm>> -> memref<1000000x128xf32, #tpu.memory_space<hbm>>
    tpu.enqueue_indirect_dma source(%dma_start3A_185 : memref<1000000x128xf32, #tpu.memory_space<hbm>>) target(%dma_start3A_180 : memref<128x128xf32, #tpu.memory_space<vmem>>) offsets(%dma_start3A_182 : memref<128xi32, #tpu.memory_space<vmem>>) semaphore(%arg17 : memref<!tpu.dma_semaphore, #tpu.memory_space<semaphore_mem>>)
    %dma_start3A_186 = arith.constant 1 : i32
    %dma_start3A_187 = arith.constant 0 : i32
    %dma_start3A_188 = arith.constant 0 : i32
    %dma_start3A_189 = tpu.memref_slice %arg12[%dma_start3A_186, %dma_start3A_187, %dma_start3A_188] : memref<2x128x64xf32, #tpu.memory_space<vmem>> -> memref<1x128x64xf32, #tpu.memory_space<vmem>>
    %dma_start3A_190 = tpu.memref_squeeze %dma_start3A_189 : memref<1x128x64xf32, #tpu.memory_space<vmem>> -> memref<128x64xf32, #tpu.memory_space<vmem>>
    %dma_start3A_191 = arith.constant 384 : i32
    %dma_start3A_192 = tpu.memref_slice %arg9[%dma_start3A_191] : memref<512xi32, #tpu.memory_space<vmem>> -> memref<128xi32, #tpu.memory_space<vmem>>
    %dma_start3A_193 = arith.constant 0 : i32
    %dma_start3A_194 = arith.constant 0 : i32
    %dma_start3A_195 = tpu.memref_slice %arg3[%dma_start3A_193, %dma_start3A_194] : memref<1000x64xf32, #tpu.memory_space<hbm>> -> memref<1000x64xf32, #tpu.memory_space<hbm>>
    tpu.enqueue_indirect_dma source(%dma_start3A_195 : memref<1000x64xf32, #tpu.memory_space<hbm>>) target(%dma_start3A_190 : memref<128x64xf32, #tpu.memory_space<vmem>>) offsets(%dma_start3A_192 : memref<128xi32, #tpu.memory_space<vmem>>) semaphore(%arg17 : memref<!tpu.dma_semaphore, #tpu.memory_space<semaphore_mem>>)
    %dma_wait3A_196 = arith.constant 0 : i32
    %dma_wait3A_197 = arith.constant 0 : i32
    %dma_wait3A_198 = arith.constant 0 : i32
    %dma_wait3A_199 = tpu.memref_slice %arg11[%dma_wait3A_196, %dma_wait3A_197, %dma_wait3A_198] : memref<2x128x128xf32, #tpu.memory_space<vmem>> -> memref<1x128x128xf32, #tpu.memory_space<vmem>>
    %dma_wait3A_200 = tpu.memref_squeeze %dma_wait3A_199 : memref<1x128x128xf32, #tpu.memory_space<vmem>> -> memref<128x128xf32, #tpu.memory_space<vmem>>
    %dma_wait3A_201 = arith.constant 256 : i32
    %dma_wait3A_202 = tpu.memref_slice %arg8[%dma_wait3A_201] : memref<512xi32, #tpu.memory_space<vmem>> -> memref<128xi32, #tpu.memory_space<vmem>>
    %dma_wait3A_203 = arith.constant 0 : i32
    %dma_wait3A_204 = arith.constant 0 : i32
    %dma_wait3A_205 = tpu.memref_slice %arg2[%dma_wait3A_203, %dma_wait3A_204] : memref<1000000x128xf32, #tpu.memory_space<hbm>> -> memref<1000000x128xf32, #tpu.memory_space<hbm>>
    tpu.wait_indirect_dma semaphore(%arg16 : memref<!tpu.dma_semaphore, #tpu.memory_space<semaphore_mem>>) src(%dma_wait3A_205 : memref<1000000x128xf32, #tpu.memory_space<hbm>>) dst(%dma_wait3A_200 : memref<128x128xf32, #tpu.memory_space<vmem>>)
    %dma_wait3A_206 = arith.constant 0 : i32
    %dma_wait3A_207 = arith.constant 0 : i32
    %dma_wait3A_208 = arith.constant 0 : i32
    %dma_wait3A_209 = tpu.memref_slice %arg13[%dma_wait3A_206, %dma_wait3A_207, %dma_wait3A_208] : memref<2x128x128xf32, #tpu.memory_space<vmem>> -> memref<1x128x128xf32, #tpu.memory_space<vmem>>
    %dma_wait3A_210 = tpu.memref_squeeze %dma_wait3A_209 : memref<1x128x128xf32, #tpu.memory_space<vmem>> -> memref<128x128xf32, #tpu.memory_space<vmem>>
    %dma_wait3A_211 = arith.constant 256 : i32
    %dma_wait3A_212 = tpu.memref_slice %arg10[%dma_wait3A_211] : memref<512xi32, #tpu.memory_space<vmem>> -> memref<128xi32, #tpu.memory_space<vmem>>
    %dma_wait3A_213 = arith.constant 0 : i32
    %dma_wait3A_214 = arith.constant 0 : i32
    %dma_wait3A_215 = tpu.memref_slice %arg2[%dma_wait3A_213, %dma_wait3A_214] : memref<1000000x128xf32, #tpu.memory_space<hbm>> -> memref<1000000x128xf32, #tpu.memory_space<hbm>>
    tpu.wait_indirect_dma semaphore(%arg16 : memref<!tpu.dma_semaphore, #tpu.memory_space<semaphore_mem>>) src(%dma_wait3A_215 : memref<1000000x128xf32, #tpu.memory_space<hbm>>) dst(%dma_wait3A_210 : memref<128x128xf32, #tpu.memory_space<vmem>>)
    %dma_wait3A_216 = arith.constant 0 : i32
    %dma_wait3A_217 = arith.constant 0 : i32
    %dma_wait3A_218 = arith.constant 0 : i32
    %dma_wait3A_219 = tpu.memref_slice %arg12[%dma_wait3A_216, %dma_wait3A_217, %dma_wait3A_218] : memref<2x128x64xf32, #tpu.memory_space<vmem>> -> memref<1x128x64xf32, #tpu.memory_space<vmem>>
    %dma_wait3A_220 = tpu.memref_squeeze %dma_wait3A_219 : memref<1x128x64xf32, #tpu.memory_space<vmem>> -> memref<128x64xf32, #tpu.memory_space<vmem>>
    %dma_wait3A_221 = arith.constant 256 : i32
    %dma_wait3A_222 = tpu.memref_slice %arg9[%dma_wait3A_221] : memref<512xi32, #tpu.memory_space<vmem>> -> memref<128xi32, #tpu.memory_space<vmem>>
    %dma_wait3A_223 = arith.constant 0 : i32
    %dma_wait3A_224 = arith.constant 0 : i32
    %dma_wait3A_225 = tpu.memref_slice %arg3[%dma_wait3A_223, %dma_wait3A_224] : memref<1000x64xf32, #tpu.memory_space<hbm>> -> memref<1000x64xf32, #tpu.memory_space<hbm>>
    tpu.wait_indirect_dma semaphore(%arg16 : memref<!tpu.dma_semaphore, #tpu.memory_space<semaphore_mem>>) src(%dma_wait3A_225 : memref<1000x64xf32, #tpu.memory_space<hbm>>) dst(%dma_wait3A_220 : memref<128x64xf32, #tpu.memory_space<vmem>>)
    %scan3A_226 = arith.constant 0 : i32
    %scan3A_227 = arith.constant 0 : i32
    %scan3A_228 = arith.constant 0 : i32
    %scan3A_229 = arith.constant 0 : i32
    %scan3A_230 = arith.constant 128 : i32
    %scan3A_231 = arith.addi %scan3A_229, %scan3A_230 : i32
    %scan3A_232 = arith.constant 1 : i32
    scf.for %scan3A_277 = %scan3A_229 to %scan3A_231 step %scan3A_232  : i32 {
      %mul3A_278 = arith.constant 1 : i32
      %mul3A_279 = arith.muli %scan3A_277, %mul3A_278 : i32
      %add3A_280 = arith.constant 0 : i32
      %add3A_281 = arith.addi %add3A_280, %mul3A_279 : i32
      %get3A = arith.constant 0 : i32
      %get3A_282 = arith.constant 0 : i32
      %get3A_283 = tpu.memref_slice %arg11[%scan3A_226, %get3A, %get3A_282] : memref<2x128x128xf32, #tpu.memory_space<vmem>> -> memref<1x128x128xf32, #tpu.memory_space<vmem>>
      %get3A_284 = tpu.memref_squeeze %get3A_283 : memref<1x128x128xf32, #tpu.memory_space<vmem>> -> memref<128x128xf32, #tpu.memory_space<vmem>>
      %get3A_285 = arith.index_cast %add3A_281 : i32 to index
      %get3A_286 = arith.constant 0 : index
      %get3A_287 = tpu.vector_load %get3A_284[%get3A_285, %get3A_286] {strides = array<i32>} : memref<128x128xf32, #tpu.memory_space<vmem>>, vector<16xf32>,
      %get3A_288 = arith.constant 0 : i32
      %get3A_289 = arith.constant 0 : i32
      %get3A_290 = tpu.memref_slice %arg12[%scan3A_227, %get3A_288, %get3A_289] : memref<2x128x64xf32, #tpu.memory_space<vmem>> -> memref<1x128x64xf32, #tpu.memory_space<vmem>>
      %get3A_291 = tpu.memref_squeeze %get3A_290 : memref<1x128x64xf32, #tpu.memory_space<vmem>> -> memref<128x64xf32, #tpu.memory_space<vmem>>
      %get3A_292 = arith.index_cast %add3A_281 : i32 to index
      %get3A_293 = arith.constant 0 : index
      %get3A_294 = tpu.vector_load %get3A_291[%get3A_292, %get3A_293] {strides = array<i32>} : memref<128x64xf32, #tpu.memory_space<vmem>>, vector<16xf32>,
      %mul3A_295 = arith.mulf %get3A_287, %get3A_294 : vector<16xf32>
      %get3A_296 = arith.constant 0 : i32
      %get3A_297 = arith.constant 0 : i32
      %get3A_298 = tpu.memref_slice %arg13[%scan3A_228, %get3A_296, %get3A_297] : memref<2x128x128xf32, #tpu.memory_space<vmem>> -> memref<1x128x128xf32, #tpu.memory_space<vmem>>
      %get3A_299 = tpu.memref_squeeze %get3A_298 : memref<1x128x128xf32, #tpu.memory_space<vmem>> -> memref<128x128xf32, #tpu.memory_space<vmem>>
      %get3A_300 = arith.index_cast %add3A_281 : i32 to index
      %get3A_301 = arith.constant 0 : index
      %get3A_302 = tpu.vector_load %get3A_299[%get3A_300, %get3A_301] {strides = array<i32>} : memref<128x128xf32, #tpu.memory_space<vmem>>, vector<16xf32>,
      %mul3A_303 = arith.mulf %mul3A_295, %get3A_302 : vector<16xf32>
      %get3A_304 = arith.constant 0 : i32
      %get3A_305 = arith.constant 0 : i32
      %get3A_306 = tpu.memref_slice %arg11[%scan3A_226, %get3A_304, %get3A_305] : memref<2x128x128xf32, #tpu.memory_space<vmem>> -> memref<1x128x128xf32, #tpu.memory_space<vmem>>
      %get3A_307 = tpu.memref_squeeze %get3A_306 : memref<1x128x128xf32, #tpu.memory_space<vmem>> -> memref<128x128xf32, #tpu.memory_space<vmem>>
      %get3A_308 = arith.index_cast %add3A_281 : i32 to index
      %get3A_309 = arith.constant 16 : index
      %get3A_310 = tpu.vector_load %get3A_307[%get3A_308, %get3A_309] {strides = array<i32>} : memref<128x128xf32, #tpu.memory_space<vmem>>, vector<16xf32>,
      %get3A_311 = arith.constant 0 : i32
      %get3A_312 = arith.constant 0 : i32
      %get3A_313 = tpu.memref_slice %arg12[%scan3A_227, %get3A_311, %get3A_312] : memref<2x128x64xf32, #tpu.memory_space<vmem>> -> memref<1x128x64xf32, #tpu.memory_space<vmem>>
      %get3A_314 = tpu.memref_squeeze %get3A_313 : memref<1x128x64xf32, #tpu.memory_space<vmem>> -> memref<128x64xf32, #tpu.memory_space<vmem>>
      %get3A_315 = arith.index_cast %add3A_281 : i32 to index
      %get3A_316 = arith.constant 16 : index
      %get3A_317 = tpu.vector_load %get3A_314[%get3A_315, %get3A_316] {strides = array<i32>} : memref<128x64xf32, #tpu.memory_space<vmem>>, vector<16xf32>,
      %mul3A_318 = arith.mulf %get3A_310, %get3A_317 : vector<16xf32>
      %get3A_319 = arith.constant 0 : i32
      %get3A_320 = arith.constant 0 : i32
      %get3A_321 = tpu.memref_slice %arg13[%scan3A_228, %get3A_319, %get3A_320] : memref<2x128x128xf32, #tpu.memory_space<vmem>> -> memref<1x128x128xf32, #tpu.memory_space<vmem>>
      %get3A_322 = tpu.memref_squeeze %get3A_321 : memref<1x128x128xf32, #tpu.memory_space<vmem>> -> memref<128x128xf32, #tpu.memory_space<vmem>>
      %get3A_323 = arith.index_cast %add3A_281 : i32 to index
      %get3A_324 = arith.constant 16 : index
      %get3A_325 = tpu.vector_load %get3A_322[%get3A_323, %get3A_324] {strides = array<i32>} : memref<128x128xf32, #tpu.memory_space<vmem>>, vector<16xf32>,
      %mul3A_326 = arith.mulf %mul3A_318, %get3A_325 : vector<16xf32>
      %add3A_327 = arith.addf %mul3A_303, %mul3A_326 : vector<16xf32>
      %get3A_328 = arith.constant 0 : i32
      %get3A_329 = arith.constant 0 : i32
      %get3A_330 = tpu.memref_slice %arg11[%scan3A_226, %get3A_328, %get3A_329] : memref<2x128x128xf32, #tpu.memory_space<vmem>> -> memref<1x128x128xf32, #tpu.memory_space<vmem>>
      %get3A_331 = tpu.memref_squeeze %get3A_330 : memref<1x128x128xf32, #tpu.memory_space<vmem>> -> memref<128x128xf32, #tpu.memory_space<vmem>>
      %get3A_332 = arith.index_cast %add3A_281 : i32 to index
      %get3A_333 = arith.constant 32 : index
      %get3A_334 = tpu.vector_load %get3A_331[%get3A_332, %get3A_333] {strides = array<i32>} : memref<128x128xf32, #tpu.memory_space<vmem>>, vector<16xf32>,
      %get3A_335 = arith.constant 0 : i32
      %get3A_336 = arith.constant 0 : i32
      %get3A_337 = tpu.memref_slice %arg12[%scan3A_227, %get3A_335, %get3A_336] : memref<2x128x64xf32, #tpu.memory_space<vmem>> -> memref<1x128x64xf32, #tpu.memory_space<vmem>>
      %get3A_338 = tpu.memref_squeeze %get3A_337 : memref<1x128x64xf32, #tpu.memory_space<vmem>> -> memref<128x64xf32, #tpu.memory_space<vmem>>
      %get3A_339 = arith.index_cast %add3A_281 : i32 to index
      %get3A_340 = arith.constant 32 : index
      %get3A_341 = tpu.vector_load %get3A_338[%get3A_339, %get3A_340] {strides = array<i32>} : memref<128x64xf32, #tpu.memory_space<vmem>>, vector<16xf32>,
      %mul3A_342 = arith.mulf %get3A_334, %get3A_341 : vector<16xf32>
      %get3A_343 = arith.constant 0 : i32
      %get3A_344 = arith.constant 0 : i32
      %get3A_345 = tpu.memref_slice %arg13[%scan3A_228, %get3A_343, %get3A_344] : memref<2x128x128xf32, #tpu.memory_space<vmem>> -> memref<1x128x128xf32, #tpu.memory_space<vmem>>
      %get3A_346 = tpu.memref_squeeze %get3A_345 : memref<1x128x128xf32, #tpu.memory_space<vmem>> -> memref<128x128xf32, #tpu.memory_space<vmem>>
      %get3A_347 = arith.index_cast %add3A_281 : i32 to index
      %get3A_348 = arith.constant 32 : index
      %get3A_349 = tpu.vector_load %get3A_346[%get3A_347, %get3A_348] {strides = array<i32>} : memref<128x128xf32, #tpu.memory_space<vmem>>, vector<16xf32>,
      %mul3A_350 = arith.mulf %mul3A_342, %get3A_349 : vector<16xf32>
      %add3A_351 = arith.addf %add3A_327, %mul3A_350 : vector<16xf32>
      %get3A_352 = arith.constant 0 : i32
      %get3A_353 = arith.constant 0 : i32
      %get3A_354 = tpu.memref_slice %arg11[%scan3A_226, %get3A_352, %get3A_353] : memref<2x128x128xf32, #tpu.memory_space<vmem>> -> memref<1x128x128xf32, #tpu.memory_space<vmem>>
      %get3A_355 = tpu.memref_squeeze %get3A_354 : memref<1x128x128xf32, #tpu.memory_space<vmem>> -> memref<128x128xf32, #tpu.memory_space<vmem>>
      %get3A_356 = arith.index_cast %add3A_281 : i32 to index
      %get3A_357 = arith.constant 48 : index
      %get3A_358 = tpu.vector_load %get3A_355[%get3A_356, %get3A_357] {strides = array<i32>} : memref<128x128xf32, #tpu.memory_space<vmem>>, vector<16xf32>,
      %get3A_359 = arith.constant 0 : i32
      %get3A_360 = arith.constant 0 : i32
      %get3A_361 = tpu.memref_slice %arg12[%scan3A_227, %get3A_359, %get3A_360] : memref<2x128x64xf32, #tpu.memory_space<vmem>> -> memref<1x128x64xf32, #tpu.memory_space<vmem>>
      %get3A_362 = tpu.memref_squeeze %get3A_361 : memref<1x128x64xf32, #tpu.memory_space<vmem>> -> memref<128x64xf32, #tpu.memory_space<vmem>>
      %get3A_363 = arith.index_cast %add3A_281 : i32 to index
      %get3A_364 = arith.constant 48 : index
      %get3A_365 = tpu.vector_load %get3A_362[%get3A_363, %get3A_364] {strides = array<i32>} : memref<128x64xf32, #tpu.memory_space<vmem>>, vector<16xf32>,
      %mul3A_366 = arith.mulf %get3A_358, %get3A_365 : vector<16xf32>
      %get3A_367 = arith.constant 0 : i32
      %get3A_368 = arith.constant 0 : i32
      %get3A_369 = tpu.memref_slice %arg13[%scan3A_228, %get3A_367, %get3A_368] : memref<2x128x128xf32, #tpu.memory_space<vmem>> -> memref<1x128x128xf32, #tpu.memory_space<vmem>>
      %get3A_370 = tpu.memref_squeeze %get3A_369 : memref<1x128x128xf32, #tpu.memory_space<vmem>> -> memref<128x128xf32, #tpu.memory_space<vmem>>
      %get3A_371 = arith.index_cast %add3A_281 : i32 to index
      %get3A_372 = arith.constant 48 : index
      %get3A_373 = tpu.vector_load %get3A_370[%get3A_371, %get3A_372] {strides = array<i32>} : memref<128x128xf32, #tpu.memory_space<vmem>>, vector<16xf32>,
      %mul3A_374 = arith.mulf %mul3A_366, %get3A_373 : vector<16xf32>
      %add3A_375 = arith.addf %add3A_351, %mul3A_374 : vector<16xf32>
      %add3A_376 = arith.constant 256 : i32
      %add3A_377 = arith.addi %add3A_376, %add3A_281 : i32
      %swap3A = arith.index_cast %add3A_377 : i32 to index
      %swap3A_378 = arith.constant 0 : index
      %swap3A_379 = tpu.vector_load %arg14[%swap3A, %swap3A_378] {strides = array<i32>} : memref<512x16xf32, #tpu.memory_space<vmem>>, vector<16xf32>,
      tpu.vector_store %arg14[%swap3A, %swap3A_378], %add3A_375 {strides = array<i32>} : memref<512x16xf32, #tpu.memory_space<vmem>>, vector<16xf32>,
    }
    %scan3A_233 = arith.constant 128 : i32
    %dma_wait3A_234 = arith.constant 1 : i32
    %dma_wait3A_235 = arith.constant 0 : i32
    %dma_wait3A_236 = arith.constant 0 : i32
    %dma_wait3A_237 = tpu.memref_slice %arg11[%dma_wait3A_234, %dma_wait3A_235, %dma_wait3A_236] : memref<2x128x128xf32, #tpu.memory_space<vmem>> -> memref<1x128x128xf32, #tpu.memory_space<vmem>>
    %dma_wait3A_238 = tpu.memref_squeeze %dma_wait3A_237 : memref<1x128x128xf32, #tpu.memory_space<vmem>> -> memref<128x128xf32, #tpu.memory_space<vmem>>
    %dma_wait3A_239 = arith.constant 384 : i32
    %dma_wait3A_240 = tpu.memref_slice %arg8[%dma_wait3A_239] : memref<512xi32, #tpu.memory_space<vmem>> -> memref<128xi32, #tpu.memory_space<vmem>>
    %dma_wait3A_241 = arith.constant 0 : i32
    %dma_wait3A_242 = arith.constant 0 : i32
    %dma_wait3A_243 = tpu.memref_slice %arg2[%dma_wait3A_241, %dma_wait3A_242] : memref<1000000x128xf32, #tpu.memory_space<hbm>> -> memref<1000000x128xf32, #tpu.memory_space<hbm>>
    tpu.wait_indirect_dma semaphore(%arg17 : memref<!tpu.dma_semaphore, #tpu.memory_space<semaphore_mem>>) src(%dma_wait3A_243 : memref<1000000x128xf32, #tpu.memory_space<hbm>>) dst(%dma_wait3A_238 : memref<128x128xf32, #tpu.memory_space<vmem>>)
    %dma_wait3A_244 = arith.constant 1 : i32
    %dma_wait3A_245 = arith.constant 0 : i32
    %dma_wait3A_246 = arith.constant 0 : i32
    %dma_wait3A_247 = tpu.memref_slice %arg13[%dma_wait3A_244, %dma_wait3A_245, %dma_wait3A_246] : memref<2x128x128xf32, #tpu.memory_space<vmem>> -> memref<1x128x128xf32, #tpu.memory_space<vmem>>
    %dma_wait3A_248 = tpu.memref_squeeze %dma_wait3A_247 : memref<1x128x128xf32, #tpu.memory_space<vmem>> -> memref<128x128xf32, #tpu.memory_space<vmem>>
    %dma_wait3A_249 = arith.constant 384 : i32
    %dma_wait3A_250 = tpu.memref_slice %arg10[%dma_wait3A_249] : memref<512xi32, #tpu.memory_space<vmem>> -> memref<128xi32, #tpu.memory_space<vmem>>
    %dma_wait3A_251 = arith.constant 0 : i32
    %dma_wait3A_252 = arith.constant 0 : i32
    %dma_wait3A_253 = tpu.memref_slice %arg2[%dma_wait3A_251, %dma_wait3A_252] : memref<1000000x128xf32, #tpu.memory_space<hbm>> -> memref<1000000x128xf32, #tpu.memory_space<hbm>>
    tpu.wait_indirect_dma semaphore(%arg17 : memref<!tpu.dma_semaphore, #tpu.memory_space<semaphore_mem>>) src(%dma_wait3A_253 : memref<1000000x128xf32, #tpu.memory_space<hbm>>) dst(%dma_wait3A_248 : memref<128x128xf32, #tpu.memory_space<vmem>>)
    %dma_wait3A_254 = arith.constant 1 : i32
    %dma_wait3A_255 = arith.constant 0 : i32
    %dma_wait3A_256 = arith.constant 0 : i32
    %dma_wait3A_257 = tpu.memref_slice %arg12[%dma_wait3A_254, %dma_wait3A_255, %dma_wait3A_256] : memref<2x128x64xf32, #tpu.memory_space<vmem>> -> memref<1x128x64xf32, #tpu.memory_space<vmem>>
    %dma_wait3A_258 = tpu.memref_squeeze %dma_wait3A_257 : memref<1x128x64xf32, #tpu.memory_space<vmem>> -> memref<128x64xf32, #tpu.memory_space<vmem>>
    %dma_wait3A_259 = arith.constant 384 : i32
    %dma_wait3A_260 = tpu.memref_slice %arg9[%dma_wait3A_259] : memref<512xi32, #tpu.memory_space<vmem>> -> memref<128xi32, #tpu.memory_space<vmem>>
    %dma_wait3A_261 = arith.constant 0 : i32
    %dma_wait3A_262 = arith.constant 0 : i32
    %dma_wait3A_263 = tpu.memref_slice %arg3[%dma_wait3A_261, %dma_wait3A_262] : memref<1000x64xf32, #tpu.memory_space<hbm>> -> memref<1000x64xf32, #tpu.memory_space<hbm>>
    tpu.wait_indirect_dma semaphore(%arg17 : memref<!tpu.dma_semaphore, #tpu.memory_space<semaphore_mem>>) src(%dma_wait3A_263 : memref<1000x64xf32, #tpu.memory_space<hbm>>) dst(%dma_wait3A_258 : memref<128x64xf32, #tpu.memory_space<vmem>>)
    %scan3A_264 = arith.constant 1 : i32
    %scan3A_265 = arith.constant 1 : i32
    %scan3A_266 = arith.constant 1 : i32
    %scan3A_267 = arith.constant 0 : i32
    %scan3A_268 = arith.constant 128 : i32
    %scan3A_269 = arith.addi %scan3A_267, %scan3A_268 : i32
    %scan3A_270 = arith.constant 1 : i32
    scf.for %scan3A_277 = %scan3A_267 to %scan3A_269 step %scan3A_270  : i32 {
      %mul3A_278 = arith.constant 1 : i32
      %mul3A_279 = arith.muli %scan3A_277, %mul3A_278 : i32
      %add3A_280 = arith.constant 0 : i32
      %add3A_281 = arith.addi %add3A_280, %mul3A_279 : i32
      %get3A = arith.constant 0 : i32
      %get3A_282 = arith.constant 0 : i32
      %get3A_283 = tpu.memref_slice %arg11[%scan3A_264, %get3A, %get3A_282] : memref<2x128x128xf32, #tpu.memory_space<vmem>> -> memref<1x128x128xf32, #tpu.memory_space<vmem>>
      %get3A_284 = tpu.memref_squeeze %get3A_283 : memref<1x128x128xf32, #tpu.memory_space<vmem>> -> memref<128x128xf32, #tpu.memory_space<vmem>>
      %get3A_285 = arith.index_cast %add3A_281 : i32 to index
      %get3A_286 = arith.constant 0 : index
      %get3A_287 = tpu.vector_load %get3A_284[%get3A_285, %get3A_286] {strides = array<i32>} : memref<128x128xf32, #tpu.memory_space<vmem>>, vector<16xf32>,
      %get3A_288 = arith.constant 0 : i32
      %get3A_289 = arith.constant 0 : i32
      %get3A_290 = tpu.memref_slice %arg12[%scan3A_265, %get3A_288, %get3A_289] : memref<2x128x64xf32, #tpu.memory_space<vmem>> -> memref<1x128x64xf32, #tpu.memory_space<vmem>>
      %get3A_291 = tpu.memref_squeeze %get3A_290 : memref<1x128x64xf32, #tpu.memory_space<vmem>> -> memref<128x64xf32, #tpu.memory_space<vmem>>
      %get3A_292 = arith.index_cast %add3A_281 : i32 to index
      %get3A_293 = arith.constant 0 : index
      %get3A_294 = tpu.vector_load %get3A_291[%get3A_292, %get3A_293] {strides = array<i32>} : memref<128x64xf32, #tpu.memory_space<vmem>>, vector<16xf32>,
      %mul3A_295 = arith.mulf %get3A_287, %get3A_294 : vector<16xf32>
      %get3A_296 = arith.constant 0 : i32
      %get3A_297 = arith.constant 0 : i32
      %get3A_298 = tpu.memref_slice %arg13[%scan3A_266, %get3A_296, %get3A_297] : memref<2x128x128xf32, #tpu.memory_space<vmem>> -> memref<1x128x128xf32, #tpu.memory_space<vmem>>
      %get3A_299 = tpu.memref_squeeze %get3A_298 : memref<1x128x128xf32, #tpu.memory_space<vmem>> -> memref<128x128xf32, #tpu.memory_space<vmem>>
      %get3A_300 = arith.index_cast %add3A_281 : i32 to index
      %get3A_301 = arith.constant 0 : index
      %get3A_302 = tpu.vector_load %get3A_299[%get3A_300, %get3A_301] {strides = array<i32>} : memref<128x128xf32, #tpu.memory_space<vmem>>, vector<16xf32>,
      %mul3A_303 = arith.mulf %mul3A_295, %get3A_302 : vector<16xf32>
      %get3A_304 = arith.constant 0 : i32
      %get3A_305 = arith.constant 0 : i32
      %get3A_306 = tpu.memref_slice %arg11[%scan3A_264, %get3A_304, %get3A_305] : memref<2x128x128xf32, #tpu.memory_space<vmem>> -> memref<1x128x128xf32, #tpu.memory_space<vmem>>
      %get3A_307 = tpu.memref_squeeze %get3A_306 : memref<1x128x128xf32, #tpu.memory_space<vmem>> -> memref<128x128xf32, #tpu.memory_space<vmem>>
      %get3A_308 = arith.index_cast %add3A_281 : i32 to index
      %get3A_309 = arith.constant 16 : index
      %get3A_310 = tpu.vector_load %get3A_307[%get3A_308, %get3A_309] {strides = array<i32>} : memref<128x128xf32, #tpu.memory_space<vmem>>, vector<16xf32>,
      %get3A_311 = arith.constant 0 : i32
      %get3A_312 = arith.constant 0 : i32
      %get3A_313 = tpu.memref_slice %arg12[%scan3A_265, %get3A_311, %get3A_312] : memref<2x128x64xf32, #tpu.memory_space<vmem>> -> memref<1x128x64xf32, #tpu.memory_space<vmem>>
      %get3A_314 = tpu.memref_squeeze %get3A_313 : memref<1x128x64xf32, #tpu.memory_space<vmem>> -> memref<128x64xf32, #tpu.memory_space<vmem>>
      %get3A_315 = arith.index_cast %add3A_281 : i32 to index
      %get3A_316 = arith.constant 16 : index
      %get3A_317 = tpu.vector_load %get3A_314[%get3A_315, %get3A_316] {strides = array<i32>} : memref<128x64xf32, #tpu.memory_space<vmem>>, vector<16xf32>,
      %mul3A_318 = arith.mulf %get3A_310, %get3A_317 : vector<16xf32>
      %get3A_319 = arith.constant 0 : i32
      %get3A_320 = arith.constant 0 : i32
      %get3A_321 = tpu.memref_slice %arg13[%scan3A_266, %get3A_319, %get3A_320] : memref<2x128x128xf32, #tpu.memory_space<vmem>> -> memref<1x128x128xf32, #tpu.memory_space<vmem>>
      %get3A_322 = tpu.memref_squeeze %get3A_321 : memref<1x128x128xf32, #tpu.memory_space<vmem>> -> memref<128x128xf32, #tpu.memory_space<vmem>>
      %get3A_323 = arith.index_cast %add3A_281 : i32 to index
      %get3A_324 = arith.constant 16 : index
      %get3A_325 = tpu.vector_load %get3A_322[%get3A_323, %get3A_324] {strides = array<i32>} : memref<128x128xf32, #tpu.memory_space<vmem>>, vector<16xf32>,
      %mul3A_326 = arith.mulf %mul3A_318, %get3A_325 : vector<16xf32>
      %add3A_327 = arith.addf %mul3A_303, %mul3A_326 : vector<16xf32>
      %get3A_328 = arith.constant 0 : i32
      %get3A_329 = arith.constant 0 : i32
      %get3A_330 = tpu.memref_slice %arg11[%scan3A_264, %get3A_328, %get3A_329] : memref<2x128x128xf32, #tpu.memory_space<vmem>> -> memref<1x128x128xf32, #tpu.memory_space<vmem>>
      %get3A_331 = tpu.memref_squeeze %get3A_330 : memref<1x128x128xf32, #tpu.memory_space<vmem>> -> memref<128x128xf32, #tpu.memory_space<vmem>>
      %get3A_332 = arith.index_cast %add3A_281 : i32 to index
      %get3A_333 = arith.constant 32 : index
      %get3A_334 = tpu.vector_load %get3A_331[%get3A_332, %get3A_333] {strides = array<i32>} : memref<128x128xf32, #tpu.memory_space<vmem>>, vector<16xf32>,
      %get3A_335 = arith.constant 0 : i32
      %get3A_336 = arith.constant 0 : i32
      %get3A_337 = tpu.memref_slice %arg12[%scan3A_265, %get3A_335, %get3A_336] : memref<2x128x64xf32, #tpu.memory_space<vmem>> -> memref<1x128x64xf32, #tpu.memory_space<vmem>>
      %get3A_338 = tpu.memref_squeeze %get3A_337 : memref<1x128x64xf32, #tpu.memory_space<vmem>> -> memref<128x64xf32, #tpu.memory_space<vmem>>
      %get3A_339 = arith.index_cast %add3A_281 : i32 to index
      %get3A_340 = arith.constant 32 : index
      %get3A_341 = tpu.vector_load %get3A_338[%get3A_339, %get3A_340] {strides = array<i32>} : memref<128x64xf32, #tpu.memory_space<vmem>>, vector<16xf32>,
      %mul3A_342 = arith.mulf %get3A_334, %get3A_341 : vector<16xf32>
      %get3A_343 = arith.constant 0 : i32
      %get3A_344 = arith.constant 0 : i32
      %get3A_345 = tpu.memref_slice %arg13[%scan3A_266, %get3A_343, %get3A_344] : memref<2x128x128xf32, #tpu.memory_space<vmem>> -> memref<1x128x128xf32, #tpu.memory_space<vmem>>
      %get3A_346 = tpu.memref_squeeze %get3A_345 : memref<1x128x128xf32, #tpu.memory_space<vmem>> -> memref<128x128xf32, #tpu.memory_space<vmem>>
      %get3A_347 = arith.index_cast %add3A_281 : i32 to index
      %get3A_348 = arith.constant 32 : index
      %get3A_349 = tpu.vector_load %get3A_346[%get3A_347, %get3A_348] {strides = array<i32>} : memref<128x128xf32, #tpu.memory_space<vmem>>, vector<16xf32>,
      %mul3A_350 = arith.mulf %mul3A_342, %get3A_349 : vector<16xf32>
      %add3A_351 = arith.addf %add3A_327, %mul3A_350 : vector<16xf32>
      %get3A_352 = arith.constant 0 : i32
      %get3A_353 = arith.constant 0 : i32
      %get3A_354 = tpu.memref_slice %arg11[%scan3A_264, %get3A_352, %get3A_353] : memref<2x128x128xf32, #tpu.memory_space<vmem>> -> memref<1x128x128xf32, #tpu.memory_space<vmem>>
      %get3A_355 = tpu.memref_squeeze %get3A_354 : memref<1x128x128xf32, #tpu.memory_space<vmem>> -> memref<128x128xf32, #tpu.memory_space<vmem>>
      %get3A_356 = arith.index_cast %add3A_281 : i32 to index
      %get3A_357 = arith.constant 48 : index
      %get3A_358 = tpu.vector_load %get3A_355[%get3A_356, %get3A_357] {strides = array<i32>} : memref<128x128xf32, #tpu.memory_space<vmem>>, vector<16xf32>,
      %get3A_359 = arith.constant 0 : i32
      %get3A_360 = arith.constant 0 : i32
      %get3A_361 = tpu.memref_slice %arg12[%scan3A_265, %get3A_359, %get3A_360] : memref<2x128x64xf32, #tpu.memory_space<vmem>> -> memref<1x128x64xf32, #tpu.memory_space<vmem>>
      %get3A_362 = tpu.memref_squeeze %get3A_361 : memref<1x128x64xf32, #tpu.memory_space<vmem>> -> memref<128x64xf32, #tpu.memory_space<vmem>>
      %get3A_363 = arith.index_cast %add3A_281 : i32 to index
      %get3A_364 = arith.constant 48 : index
      %get3A_365 = tpu.vector_load %get3A_362[%get3A_363, %get3A_364] {strides = array<i32>} : memref<128x64xf32, #tpu.memory_space<vmem>>, vector<16xf32>,
      %mul3A_366 = arith.mulf %get3A_358, %get3A_365 : vector<16xf32>
      %get3A_367 = arith.constant 0 : i32
      %get3A_368 = arith.constant 0 : i32
      %get3A_369 = tpu.memref_slice %arg13[%scan3A_266, %get3A_367, %get3A_368] : memref<2x128x128xf32, #tpu.memory_space<vmem>> -> memref<1x128x128xf32, #tpu.memory_space<vmem>>
      %get3A_370 = tpu.memref_squeeze %get3A_369 : memref<1x128x128xf32, #tpu.memory_space<vmem>> -> memref<128x128xf32, #tpu.memory_space<vmem>>
      %get3A_371 = arith.index_cast %add3A_281 : i32 to index
      %get3A_372 = arith.constant 48 : index
      %get3A_373 = tpu.vector_load %get3A_370[%get3A_371, %get3A_372] {strides = array<i32>} : memref<128x128xf32, #tpu.memory_space<vmem>>, vector<16xf32>,
      %mul3A_374 = arith.mulf %mul3A_366, %get3A_373 : vector<16xf32>
      %add3A_375 = arith.addf %add3A_351, %mul3A_374 : vector<16xf32>
      %add3A_376 = arith.constant 384 : i32
      %add3A_377 = arith.addi %add3A_376, %add3A_281 : i32
      %swap3A = arith.index_cast %add3A_377 : i32 to index
      %swap3A_378 = arith.constant 0 : index
      %swap3A_379 = tpu.vector_load %arg14[%swap3A, %swap3A_378] {strides = array<i32>} : memref<512x16xf32, #tpu.memory_space<vmem>>, vector<16xf32>,
      tpu.vector_store %arg14[%swap3A, %swap3A_378], %add3A_375 {strides = array<i32>} : memref<512x16xf32, #tpu.memory_space<vmem>>, vector<16xf32>,
    }
    %scan3A_271 = arith.constant 128 : i32
    %iota3A = tpu.iota {dimensions = array<i32: 0>} : vector<16xi32>
    %scan3A_272 = arith.constant 0 : i32
    %scan3A_273 = arith.constant 32 : i32
    %scan3A_274 = arith.addi %scan3A_272, %scan3A_273 : i32
    %scan3A_275 = arith.constant 1 : i32
    scf.for %scan3A_277 = %scan3A_272 to %scan3A_274 step %scan3A_275  : i32 {
      %mul3A_278 = arith.constant 16 : i32
      %mul3A_279 = arith.muli %scan3A_277, %mul3A_278 : i32
      %add3A_280 = arith.constant 0 : i32
      %add3A_281 = arith.addi %add3A_280, %mul3A_279 : i32
      %add3A_282 = vector.broadcast %add3A_281 : i32 to vector<16xi32>
      %add3A_283 = arith.addi %add3A_282, %iota3A : vector<16xi32>
      %broadcast_in_dim3A = arith.constant 0 : i32
      %broadcast_in_dim3A_284 = vector.broadcast %broadcast_in_dim3A : i32 to vector<16xi32>
      %gather3A = tpu.vector_load_idx %arg14[%add3A_283, %broadcast_in_dim3A_284] : memref<512x16xf32, #tpu.memory_space<vmem>>[vector<16xi32>, vector<16xi32>], vector<16xf32>,
      %broadcast_in_dim3A_285 = arith.constant 1 : i32
      %broadcast_in_dim3A_286 = vector.broadcast %broadcast_in_dim3A_285 : i32 to vector<16xi32>
      %gather3A_287 = tpu.vector_load_idx %arg14[%add3A_283, %broadcast_in_dim3A_286] : memref<512x16xf32, #tpu.memory_space<vmem>>[vector<16xi32>, vector<16xi32>], vector<16xf32>,
      %add3A_288 = arith.addf %gather3A, %gather3A_287 : vector<16xf32>
      %broadcast_in_dim3A_289 = arith.constant 2 : i32
      %broadcast_in_dim3A_290 = vector.broadcast %broadcast_in_dim3A_289 : i32 to vector<16xi32>
      %gather3A_291 = tpu.vector_load_idx %arg14[%add3A_283, %broadcast_in_dim3A_290] : memref<512x16xf32, #tpu.memory_space<vmem>>[vector<16xi32>, vector<16xi32>], vector<16xf32>,
      %add3A_292 = arith.addf %add3A_288, %gather3A_291 : vector<16xf32>
      %broadcast_in_dim3A_293 = arith.constant 3 : i32
      %broadcast_in_dim3A_294 = vector.broadcast %broadcast_in_dim3A_293 : i32 to vector<16xi32>
      %gather3A_295 = tpu.vector_load_idx %arg14[%add3A_283, %broadcast_in_dim3A_294] : memref<512x16xf32, #tpu.memory_space<vmem>>[vector<16xi32>, vector<16xi32>], vector<16xf32>,
      %add3A_296 = arith.addf %add3A_292, %gather3A_295 : vector<16xf32>
      %broadcast_in_dim3A_297 = arith.constant 4 : i32
      %broadcast_in_dim3A_298 = vector.broadcast %broadcast_in_dim3A_297 : i32 to vector<16xi32>
      %gather3A_299 = tpu.vector_load_idx %arg14[%add3A_283, %broadcast_in_dim3A_298] : memref<512x16xf32, #tpu.memory_space<vmem>>[vector<16xi32>, vector<16xi32>], vector<16xf32>,
      %add3A_300 = arith.addf %add3A_296, %gather3A_299 : vector<16xf32>
      %broadcast_in_dim3A_301 = arith.constant 5 : i32
      %broadcast_in_dim3A_302 = vector.broadcast %broadcast_in_dim3A_301 : i32 to vector<16xi32>
      %gather3A_303 = tpu.vector_load_idx %arg14[%add3A_283, %broadcast_in_dim3A_302] : memref<512x16xf32, #tpu.memory_space<vmem>>[vector<16xi32>, vector<16xi32>], vector<16xf32>,
      %add3A_304 = arith.addf %add3A_300, %gather3A_303 : vector<16xf32>
      %broadcast_in_dim3A_305 = arith.constant 6 : i32
      %broadcast_in_dim3A_306 = vector.broadcast %broadcast_in_dim3A_305 : i32 to vector<16xi32>
      %gather3A_307 = tpu.vector_load_idx %arg14[%add3A_283, %broadcast_in_dim3A_306] : memref<512x16xf32, #tpu.memory_space<vmem>>[vector<16xi32>, vector<16xi32>], vector<16xf32>,
      %add3A_308 = arith.addf %add3A_304, %gather3A_307 : vector<16xf32>
      %broadcast_in_dim3A_309 = arith.constant 7 : i32
      %broadcast_in_dim3A_310 = vector.broadcast %broadcast_in_dim3A_309 : i32 to vector<16xi32>
      %gather3A_311 = tpu.vector_load_idx %arg14[%add3A_283, %broadcast_in_dim3A_310] : memref<512x16xf32, #tpu.memory_space<vmem>>[vector<16xi32>, vector<16xi32>], vector<16xf32>,
      %add3A_312 = arith.addf %add3A_308, %gather3A_311 : vector<16xf32>
      %broadcast_in_dim3A_313 = arith.constant 8 : i32
      %broadcast_in_dim3A_314 = vector.broadcast %broadcast_in_dim3A_313 : i32 to vector<16xi32>
      %gather3A_315 = tpu.vector_load_idx %arg14[%add3A_283, %broadcast_in_dim3A_314] : memref<512x16xf32, #tpu.memory_space<vmem>>[vector<16xi32>, vector<16xi32>], vector<16xf32>,
      %add3A_316 = arith.addf %add3A_312, %gather3A_315 : vector<16xf32>
      %broadcast_in_dim3A_317 = arith.constant 9 : i32
      %broadcast_in_dim3A_318 = vector.broadcast %broadcast_in_dim3A_317 : i32 to vector<16xi32>
      %gather3A_319 = tpu.vector_load_idx %arg14[%add3A_283, %broadcast_in_dim3A_318] : memref<512x16xf32, #tpu.memory_space<vmem>>[vector<16xi32>, vector<16xi32>], vector<16xf32>,
      %add3A_320 = arith.addf %add3A_316, %gather3A_319 : vector<16xf32>
      %broadcast_in_dim3A_321 = arith.constant 10 : i32
      %broadcast_in_dim3A_322 = vector.broadcast %broadcast_in_dim3A_321 : i32 to vector<16xi32>
      %gather3A_323 = tpu.vector_load_idx %arg14[%add3A_283, %broadcast_in_dim3A_322] : memref<512x16xf32, #tpu.memory_space<vmem>>[vector<16xi32>, vector<16xi32>], vector<16xf32>,
      %add3A_324 = arith.addf %add3A_320, %gather3A_323 : vector<16xf32>
      %broadcast_in_dim3A_325 = arith.constant 11 : i32
      %broadcast_in_dim3A_326 = vector.broadcast %broadcast_in_dim3A_325 : i32 to vector<16xi32>
      %gather3A_327 = tpu.vector_load_idx %arg14[%add3A_283, %broadcast_in_dim3A_326] : memref<512x16xf32, #tpu.memory_space<vmem>>[vector<16xi32>, vector<16xi32>], vector<16xf32>,
      %add3A_328 = arith.addf %add3A_324, %gather3A_327 : vector<16xf32>
      %broadcast_in_dim3A_329 = arith.constant 12 : i32
      %broadcast_in_dim3A_330 = vector.broadcast %broadcast_in_dim3A_329 : i32 to vector<16xi32>
      %gather3A_331 = tpu.vector_load_idx %arg14[%add3A_283, %broadcast_in_dim3A_330] : memref<512x16xf32, #tpu.memory_space<vmem>>[vector<16xi32>, vector<16xi32>], vector<16xf32>,
      %add3A_332 = arith.addf %add3A_328, %gather3A_331 : vector<16xf32>
      %broadcast_in_dim3A_333 = arith.constant 13 : i32
      %broadcast_in_dim3A_334 = vector.broadcast %broadcast_in_dim3A_333 : i32 to vector<16xi32>
      %gather3A_335 = tpu.vector_load_idx %arg14[%add3A_283, %broadcast_in_dim3A_334] : memref<512x16xf32, #tpu.memory_space<vmem>>[vector<16xi32>, vector<16xi32>], vector<16xf32>,
      %add3A_336 = arith.addf %add3A_332, %gather3A_335 : vector<16xf32>
      %broadcast_in_dim3A_337 = arith.constant 14 : i32
      %broadcast_in_dim3A_338 = vector.broadcast %broadcast_in_dim3A_337 : i32 to vector<16xi32>
      %gather3A_339 = tpu.vector_load_idx %arg14[%add3A_283, %broadcast_in_dim3A_338] : memref<512x16xf32, #tpu.memory_space<vmem>>[vector<16xi32>, vector<16xi32>], vector<16xf32>,
      %add3A_340 = arith.addf %add3A_336, %gather3A_339 : vector<16xf32>
      %broadcast_in_dim3A_341 = arith.constant 15 : i32
      %broadcast_in_dim3A_342 = vector.broadcast %broadcast_in_dim3A_341 : i32 to vector<16xi32>
      %gather3A_343 = tpu.vector_load_idx %arg14[%add3A_283, %broadcast_in_dim3A_342] : memref<512x16xf32, #tpu.memory_space<vmem>>[vector<16xi32>, vector<16xi32>], vector<16xf32>,
      %add3A_344 = arith.addf %add3A_340, %gather3A_343 : vector<16xf32>
      %swap3A = arith.index_cast %add3A_281 : i32 to index
      %swap3A_345 = tpu.vector_load %arg15[%swap3A] {strides = array<i32>} : memref<512xf32, #tpu.memory_space<vmem>>, vector<16xf32>,
      tpu.vector_store %arg15[%swap3A], %add3A_344 {strides = array<i32>} : memref<512xf32, #tpu.memory_space<vmem>>, vector<16xf32>,
    }
    %scan3A_276 = arith.constant 32 : i32
    "tpu.region"() ({
      %run_scoped3A = tpu.sem_alloc : memref<!tpu.dma_semaphore, #tpu.memory_space<semaphore_mem>>
      %dma_start3A_277 = tpu.memref_slice %arg7[%mul3A_2] : memref<16384xf32, #tpu.memory_space<hbm>> -> memref<512xf32, #tpu.memory_space<hbm>>
      %dma_start3A_278 = tpu.memref_slice %arg7[%mul3A_2] : memref<16384xf32, #tpu.memory_space<hbm>> -> memref<512xf32, #tpu.memory_space<hbm>>
      tpu.enqueue_dma source(%arg15 : memref<512xf32, #tpu.memory_space<vmem>>) target(%dma_start3A_278 : memref<512xf32, #tpu.memory_space<hbm>>) target_semaphore(%run_scoped3A : memref<!tpu.dma_semaphore, #tpu.memory_space<semaphore_mem>>)
      %dma_wait3A_279 = tpu.memref_slice %arg7[%mul3A_2] : memref<16384xf32, #tpu.memory_space<hbm>> -> memref<512xf32, #tpu.memory_space<hbm>>
      %dma_wait3A_280 = tpu.memref_slice %arg7[%mul3A_2] : memref<16384xf32, #tpu.memory_space<hbm>> -> memref<512xf32, #tpu.memory_space<hbm>>
      tpu.wait_dma2 semaphore(%run_scoped3A : memref<!tpu.dma_semaphore, #tpu.memory_space<semaphore_mem>>) src(%arg15 : memref<512xf32, #tpu.memory_space<vmem>>) dst(%dma_wait3A_280 : memref<512xf32, #tpu.memory_space<hbm>>)
      tpu.yield
    }) : () -> ()
    return
  }
}

</mosaic_0001>

<sc_bundles>
// kernel: kernel.3.cloned.1.call-start
scs
__scs_entry_jumppad:
0x0: {  	(pc) =	sbr.rel $0x88, $3  }
0x1: {  	(tag) =	ssettag $0x0;
	lr =	simm.s32 $0x1  }
0x2: {  	[smem:$0x3F9C] =	sst lr;
	_ =	strace $0xD0000000  }
0x3: {  	_ = 	snop  }
0x4: {  	_ = 	snop  }
0x5: {  	_ = 	snop  }
0x6: {  	_ = 	snop  }
0x7: {  	_ = 	snop  }
__scs_overlays_trampoline_lowered:
0x8: {  	[smem:$0x3FAB] =	sst s0  }
0x9: {  	[smem:$0x3FAC] =	sst s1  }
0xa: {  	[smem:$0x3FAD] =	sst s2  }
0xb: {  	[smem:$0x3FAE] =	sst s3  }
0xc: {  	[smem:$0x3FAF] =	sst s4  }
0xd: {  	[smem:$0x3FB0] =	sst s5  }
0xe: {  	[smem:$0x3FB1] =	sst s6  }
0xf: {  	[smem:$0x3FB2] =	sst s7  }
0x10: {  	[smem:$0x3FB3] =	sst s8  }
0x11: {  	[smem:$0x3FB4] =	sst s9;
	s0 =	simm.s32 @!p0 $0x0  }
0x12: {  	s1 =	sld [smem:$0x3F9A];
	s0 =	simm.s32 @p0 $0x1  }
0x13: {  	[smem:$0x3FB5] =	sst s0;
	s0 =	simm.s32 @!p1 $0x0  }
0x14: {  	s2 =	sld [smem:$0x3F99];
	s0 =	simm.s32 @p1 $0x1  }
0x15: {  	[smem:$0x3FB6] =	sst s0;
	s0 =	simm.s32 @!p2 $0x0  }
0x16: {  	s3 =	sld [smem:$0x3FDB];
	s0 =	simm.s32 @p2 $0x1  }
0x17: {  	s4 =	simm.s32 $0x1BF5;
	[smem:$0x3FB8] =	sst s0  }
0x18: {  	s0 =	sld [smem:$0x3F9B];
	_ =	swait.ge [sflag:s4], $0x0  }
0x19: {  	s7 =	sld [smem:$0x3F9C]  }
0x1a: {  	s8 =	sadd.s32 $0xFFFFE003, lr  }
0x1b: {  	s9 =	sadd.s32 $0xFFFFFEF7, lr;
	s5 =	simm.s32 $0xFFFFFFFF;
	p2 =	slt.u32 s8, $0xFFFFF086  }
0x1c: {  	p1 =	slt.u32 s9, $0xF7A;
	s5 =	simm.s32 @!p2 $0x0  }
0x1d: {  	s5 =	simm.s32 @p1 $0x1;
	p0 =	seq.s32 s7, s2  }
0x1e: {  	s7 =	smul.u32 @!p0 $0xF7A, s2;
	p2 =	seq.s32 @!p0 s5, $0x0  }
0x1f: {  	s9 =	smul.u32 $0xF7A, s1;
	s8 =	simm.s32 @!p0 $0x1BF5;
	p2 =	por !p2, p0  }
0x20: {  	[sflag:s8] =	ssyncset.s32 @!p0 $0xFFFFF086;
	s6 =	sadd.s32 @!p0 s3, s7;
	s7 =	simm.s32 @!p0 $0x108  }
0x21: {  	s3 =	sadd.s32 s3, s9;
	s6 =	sadd.s32 @!p0 $0x88, s6;
	s7 =	simm.s32 @p2 $0x1082  }
0x22: {  	[simem:s7], [sflag:s8] =	dma.local @!p0 [hbm:s6], $0xF7A  }
0x23: {  	s9 =	sor.u32 $0xD0000000, s2;
	s6 =	simm.s32 $0x108;
	_ =	swait.ge @!p0 [sflag:s8], $0x0  }
0x24: {  	s3 =	sadd.s32 $0x88, s3;
	s6 =	simm.s32 @!p1 $0x1082;
	[sflag:s4] =	ssyncset.s32 $0xFFFFF086  }
0x25: {  	[simem:s6], [sflag:s4] =	dma.local [hbm:s3], $0xF7A  }
0x26: {  	[smem:$0x3F9C] =	sst s1;
	(tag) =	ssettag s2;
	_ =	strace s9  }
0x27: {  	s1 =	sld [smem:$0x3FAC]  }
0x28: {  	s2 =	sld [smem:$0x3FAD]  }
0x29: {  	s4 =	sld [smem:$0x3FAF]  }
0x2a: {  	p0 =	seq.s32 s5, $0x0;
	s5 =	sld [smem:$0x3FB0]  }
0x2b: {  	s6 =	sld [smem:$0x3FB1]  }
0x2c: {  	s7 =	sld [smem:$0x3FB2]  }
0x2d: {  	s3 =	simm.s32 $0x108;
	s8 =	sld [smem:$0x3FB3]  }
0x2e: {  	s3 =	simm.s32 @!p0 $0x1082;
	s9 =	sld [smem:$0x3FB4]  }
0x2f: {  	lr =	sadd.s32 s0, s3;
	s0 =	sld [smem:$0x3FAB]  }
0x30: {  	s3 =	sld [smem:$0x3FAE]  }
0x31: {  	[smem:$0x3FB7] =	sst s10  }
0x32: {  	s10 =	sld [smem:$0x3FB5];
	_ =	sdelay $0x3  }
0x33: {  	p0 =	seq.s32 s10, $0x1;
	s10 =	sld [smem:$0x3FB7];
	_ =	sdelay $0x3  }
0x34: {  	[smem:$0x3FB7] =	sst s10  }
0x35: {  	s10 =	sld [smem:$0x3FB6];
	_ =	sdelay $0x3  }
0x36: {  	p1 =	seq.s32 s10, $0x1;
	s10 =	sld [smem:$0x3FB7];
	_ =	sdelay $0x3  }
0x37: {  	[smem:$0x3FB7] =	sst s10  }
0x38: {  	s10 =	sld [smem:$0x3FB8]  }
0x39: {  	_ = 	snop;
	(pc) =	sbr.ind lr, $3  }
0x3a: {  	_ = 	snop  }
0x3b: {  	_ = 	snop  }
0x3c: {  	p2 =	seq.s32 s10, $0x1;
	s10 =	sld [smem:$0x3FB7]  }
0x3d: {  	_ =	shalt  }
0x3e: {  	_ =	shalt  }
0x3f: {  	_ =	shalt  }
0x40: {  	_ =	shalt  }
0x41: {  	_ =	shalt  }
0x42: {  	_ =	shalt  }
0x43: {  	_ =	shalt  }
0x44: {  	_ =	shalt  }
0x45: {  	_ =	shalt  }
0x46: {  	_ =	shalt  }
0x47: {  	_ =	shalt  }
0x48: {  	_ =	shalt  }
0x49: {  	_ =	shalt  }
0x4a: {  	_ =	shalt  }
0x4b: {  	_ =	shalt  }
0x4c: {  	_ =	shalt  }
0x4d: {  	_ =	shalt  }
0x4e: {  	_ =	shalt  }
0x4f: {  	_ =	shalt  }
0x50: {  	_ =	shalt  }
0x51: {  	_ =	shalt  }
0x52: {  	_ =	shalt  }
0x53: {  	_ =	shalt  }
0x54: {  	_ =	shalt  }
0x55: {  	_ =	shalt  }
0x56: {  	_ =	shalt  }
0x57: {  	_ =	shalt  }
0x58: {  	_ =	shalt  }
0x59: {  	_ =	shalt  }
0x5a: {  	_ =	shalt  }
0x5b: {  	_ =	shalt  }
0x5c: {  	_ =	shalt  }
0x5d: {  	_ =	shalt  }
0x5e: {  	_ =	shalt  }
0x5f: {  	_ =	shalt  }
0x60: {  	_ =	shalt  }
0x61: {  	_ =	shalt  }
0x62: {  	_ =	shalt  }
0x63: {  	_ =	shalt  }
0x64: {  	_ =	shalt  }
0x65: {  	_ =	shalt  }
0x66: {  	_ =	shalt  }
0x67: {  	_ =	shalt  }
0x68: {  	_ =	shalt  }
0x69: {  	_ =	shalt  }
0x6a: {  	_ =	shalt  }
0x6b: {  	_ =	shalt  }
0x6c: {  	_ =	shalt  }
0x6d: {  	_ =	shalt  }
0x6e: {  	_ =	shalt  }
0x6f: {  	_ =	shalt  }
0x70: {  	_ =	shalt  }
0x71: {  	_ =	shalt  }
0x72: {  	_ =	shalt  }
0x73: {  	_ =	shalt  }
0x74: {  	_ =	shalt  }
0x75: {  	_ =	shalt  }
0x76: {  	_ =	shalt  }
0x77: {  	_ =	shalt  }
0x78: {  	_ =	shalt  }
0x79: {  	_ =	shalt  }
0x7a: {  	_ =	shalt  }
0x7b: {  	_ =	shalt  }
0x7c: {  	_ =	shalt  }
0x7d: {  	_ =	shalt  }
0x7e: {  	_ =	shalt  }
0x7f: {  	_ =	shalt  }
0x80: {  	_ =	shalt  }
0x81: {  	_ =	shalt  }
0x82: {  	_ =	shalt  }
0x83: {  	_ =	shalt  }
0x84: {  	_ =	shalt  }
0x85: {  	_ =	shalt  }
0x86: {  	_ =	shalt  }
0x87: {  	_ =	shalt  }
.Lfunc_end0:
.L_simem_size_0:
called_computation_lowered:
.L_overlay_start_0:
0x88: {  	s2 =	sld [smem:$0x3FD9]  }
0x89: {  	s3 =	sld [smem:$0x3FFE];
	_ =	sdelay $0x1  }
0x8a: {  	s1 =	srdreg.scid  }
0x8b: {  	s0 =	sand.u32 $0x1, s1  }
0x8c: {  	s17 =	sshll.u32 s0, $0xA;
	s2 =	sadd.s32 s3, s2  }
0x8d: {  	s2 =	sadd.s32 s2, s17  }
0x8e: {  	[smem:$0x3FC3] =	sst s2  }
0x8f: {  	_ = 	snop  }
0x90: {  	s2 =	sld [smem:$0x3FC7]  }
0x91: {  	s18 =	sld [smem:$0x3FC6]  }
0x92: {  	s4 =	sld [smem:$0x3FC5]  }
0x93: {  	s5 =	sld [smem:$0x3FD0];
	(tm) =	ssettm $0x1  }
0x94: {  	s6 =	sld [smem:$0x3FFB];
	_ =	sdelay $0x3  }
0x95: {  	_ =	strace s6  }
0x96: {  	s6 =	sld [smem:$0x3FFC];
	_ =	sdelay $0x3  }
0x97: {  	_ =	strace s6  }
0x98: {  	s6 =	sld [smem:$0x3FFD];
	_ =	sdelay $0x3  }
0x99: {  	_ =	strace s6  }
0x9a: {  	_ =	strace $0x8FFFFFFF  }
0x9b: {  	s19 =	sld [smem:$0x3FDB];
	_ =	sdelay $0x1  }
0x9c: {  	s7 =	simm.s32 $_scs_section_size  }
0x9d: {  	s8 =	simm.s32 $_size__tile_overlayer_lowered;
	s9 =	simm.s32 $_tile_overlayer_lowered  }
0x9e: {  	s22 =	simm.s32 $0x1BFF;
	s21 =	sshll.u32 s9, $0x1;
	s6 =	sadd.s32 s7, s19  }
0x9f: {  	s10 =	simm.s32 $0x0;
	s20 =	sshll.u32 s8, $0x1;
	s8 =	sadd.s32 s21, s6  }
0xa0: {  	[timem:s10], [sflag:s22] =	dma.local [hbm:s8], s20  }
0xa1: {  	_ =	swait.ge [sflag:s22], s20  }
0xa2: {  	s7 =	ssub.s32 $0x0, s20;
	[sflag:s22] =	ssyncset.done $0x0  }
0xa3: {  	[sflag:s22] =	ssyncadd.s32 s7;
	_ =	sdelay $0x1  }
0xa4: {  	s23 =	simm.s32 $0x1B8B  }
0xa5: {  	_ =	swait.ge [sflag:s23], $0x1  }
0xa6: {  	[sflag:s23] =	ssyncset.done $0x0  }
0xa7: {  	s25 =	simm.s32 $0x1B8E;
	s24 =	sld [smem:$0x3FFE];
	[sflag:s23] =	ssyncadd.s32 $0xFFFFFFFF  }
0xa8: {  	s26 =	simm.s32 $execute0_lowered;
	[smem:$0x3FD2] =	sst s25  }
0xa9: {  	s8 =	sshll.u32 s26, $0x1;
	_ =	strace $0x80000046;
	[dreg:$0x1] =	wrdreg $0xFFFFFFFF  }
0xaa: {  	s28 =	simm.s32 $_size_execute0_lowered;
	s6 =	sadd.s32 s6, s8;
	[dreg:$0x0] =	wrdreg $0x0  }
0xab: {  	s8 =	sshll.u32 s28, $0x1;
	[dreg:$0x2] =	wrdreg s6  }
0xac: {  	[dreg:$0x3] =	wrdreg s8  }
0xad: {  	[dreg:$0x4] =	wrdreg $0xC0  }
0xae: {  	_ =	task [dreg:s10], $0x5FFFF  }
0xaf: {  	[dreg:$0x1] =	wrdreg $0xFFFFFFFF  }
0xb0: {  	[dreg:$0x0] =	wrdreg $0x60  }
0xb1: {  	[dreg:$0x2] =	wrdreg s24  }
0xb2: {  	[dreg:$0x3] =	wrdreg s2  }
0xb3: {  	[dreg:$0x4] =	wrdreg s18  }
0xb4: {  	[dreg:$0x5] =	wrdreg s4  }
0xb5: {  	[dreg:$0x6] =	wrdreg s5  }
0xb6: {  	[dreg:$0x7] =	wrdreg $0x9  }
0xb7: {  	_ =	task.clear_ibuf [dreg:s10], $0x8FFFF;
	_ =	strace $0x90000046  }
0xb8: {  	s29 =	simm.s32 $0x9;
	_ =	strace $0x80000048  }
0xb9: {  	_ =	swait.ge [sflag:s29], $0x1  }
0xba: {  	[sflag:s29] =	ssyncadd.s32 $0xFFFFFFFF  }
0xbb: {  	_ =	strace $0x90000048  }
0xbc: {  	_ =	sfence  }
0xbd: {  	s30 =	sld [smem:$0x0];
	_ =	sdelay $0x2  }
0xbe: {  	s31 =	sshll.u32 s1, $0xD;
	s1 =	sshrl.u32 s1, $0x2  }
0xbf: {  	s3 =	sand.u32 $0x4000, s31;
	s1 =	sadd.s32 s1, s30  }
0xc0: {  	s0 =	sor.u32 s3, s0;
	s1 =	sshll.u32 s1, $0x11  }
0xc1: {  	s0 =	sor.u32 s1, s0  }
0xc2: {  	s0 =	sadd.s32 $0x8F2B, s0  }
0xc3: {  	[sflag:s0] =	ssyncadd.remote.s32 $0x1  }
0xc4: {  	_ =	sfence.sel $0xFFFF  }
0xc5: {  	[dreg:$0x0] =	wrdreg $0xFFFFFFFF;
	(pc) =	sbr.abs _section_cstart, $3  }
0xc6: {  	[dreg:$0x1] =	wrdreg $0xFFFFFFFF  }
0xc7: {  	_ =	task.clear_ibuf [dreg:s10], $0x2FFFF;
	_ =	strace $0x9FFFFFFF  }
0xc8: {  	(tm) =	ssettm $0x7FFFFFFF  }
0xc9: {  	_ =	shalt  }
tec
execute0_lowered:
.L_overlay_start_1:
0x0: {  	(tag) =	ssettag $0x1  }
0x1: {  	s0 =	rddreg [dreg:$0x0]  }
0x2: {  	s1 =	rddreg [dreg:$0x1]  }
0x3: {  	s6 =	rddreg [dreg:$0x2]  }
0x4: {  	s7 =	rddreg [dreg:$0x3]  }
0x5: {  	s8 =	rddreg [dreg:$0x4];
	s2 =	simm.s32 $0x0  }
0x6: {  	s3 =	srdreg.scid;
	s4 =	stileid.u32;
	s11 =	simm.s32 $0x200  }
0x7: {  	s12 =	simm.s32 $0x400;
	s13 =	simm.s32 $0x80;
	s14 =	simm.s32 $0x600  }
0x8: {  	s15 =	simm.s32 $0xC600;
	s16 =	simm.s32 $0x8600;
	s17 =	simm.s32 $0x4600  }
0x9: {  	s19 =	simm.s32 $0x10600;
	s21 =	simm.s32 $0xA600;
	s22 =	simm.s32 $0x1  }
0xa: {  	s28 =	simm.s32 $0x180;
	s29 =	simm.s32 $0x580;
	s30 =	simm.s32 $0x380  }
0xb: {  	s31 =	simm.s32 $0x14600;
	[smem:$0x7FF] =	sst s2;
	s3 =	sand.u32 $0x1, s3  }
0xc: {  	s4 =	sshll.u32 s4, $0x7;
	_ =	strace $0x80000047;
	s5 =	ssub.s32 $0x2, s3  }
0xd: {  	s9 =	sshll.u32 s3, $0x6;
	s3 =	sadd.s32 $0xF44A00, s0;
	s10 =	sshrl.u32 s5, $0x1  }
0xe: {  	s9 =	sor.u32 s9, s4;
	s4 =	sadd.s32 $0xF42A00, s0;
	s0 =	simm.s32 $0x16600  }
0xf: {  	v0 =	vlaneseq.u32;
	s26 =	ssub.s32 s5, s10;
	s5 =	sadd.s32 s1, s9;
	s6 =	sadd.s32 s6, s9  }
0x10: {  	v0 =	vmul.u32 $0x10, v0;
	s7 =	sadd.s32 s7, s9;
	s8 =	sadd.s32 s8, s9;
	s10 =	simm.s32 $0x3  }
0x11: {  	s1 =	simm.s32 $0x0;
	s9 =	smax.u32 s26, $0x1;
	s26 =	simm.s32 $0x2  }
.LBB2_1:
0x12: {  	[tilespmem:s2], [sflag:$0x3] =	stream.linear.gather [hbm4b:s5+s2], $0x200, $0x38;
	[tilespmem:$0x16800] =	vst v63  }
0x13: {  	_ =	swait.ge [sflag:s10], $0x200  }
0x14: {  	[sflag:s10] =	ssyncset.done $0x0  }
0x15: {  	[sflag:s10] =	ssyncadd.s32 $0xFFFFFE00  }
0x16: {  	[tilespmem:s11], [sflag:$0x3] =	stream.linear.gather [hbm4b:s6+s2], $0x200, $0x38;
	[tilespmem:$0x16800] =	vst v63  }
0x17: {  	_ =	swait.ge [sflag:s10], $0x200  }
0x18: {  	[sflag:s10] =	ssyncset.done $0x0  }
0x19: {  	[sflag:s10] =	ssyncadd.s32 $0xFFFFFE00  }
0x1a: {  	[tilespmem:s12], [sflag:$0x3] =	stream.linear.gather [hbm4b:s7+s2], $0x200, $0x38;
	[tilespmem:$0x16800] =	vst v63  }
0x1b: {  	_ =	swait.ge [sflag:s10], $0x200  }
0x1c: {  	[sflag:s10] =	ssyncset.done $0x0  }
0x1d: {  	[sflag:s10] =	ssyncadd.s32 $0xFFFFFE00  }
0x1e: {  	[tilespmem:s14], [sflag:$0x1] =	stream.indirect.gather [hbm4b:s3+s13], $0x80, s2, s13, $0xb8;
	[tilespmem:$0x16800] =	vst v63  }
0x1f: {  	_ = 	snop  }
0x20: {  	[tilespmem:s15], [sflag:$0x1] =	stream.indirect.gather [hbm4b:s3+s13], $0x80, s12, s13, $0xb8;
	[tilespmem:$0x16800] =	vst v63  }
0x21: {  	_ = 	snop  }
0x22: {  	[tilespmem:s16], [sflag:$0x1] =	stream.indirect.gather [hbm4b:s4+s13], $0x40, s11, s13, $0xb8;
	[tilespmem:$0x16800] =	vst v63  }
0x23: {  	_ = 	snop  }
0x24: {  	[tilespmem:s17], [sflag:$0x2] =	stream.indirect.gather [hbm4b:s3+s13], $0x80, s13, s13, $0xb8;
	[tilespmem:$0x16800] =	vst v63  }
0x25: {  	s18 =	simm.s32 $0x480  }
0x26: {  	[tilespmem:s19], [sflag:$0x2] =	stream.indirect.gather [hbm4b:s3+s13], $0x80, s18, s13, $0xb8;
	[tilespmem:$0x16800] =	vst v63  }
0x27: {  	s24 =	simm.s32 $0x280  }
0x28: {  	[tilespmem:s21], [sflag:$0x2] =	stream.indirect.gather [hbm4b:s4+s13], $0x40, s24, s13, $0xb8;
	[tilespmem:$0x16800] =	vst v63  }
0x29: {  	_ =	swait.ge [sflag:s22], $0x4000  }
0x2a: {  	[sflag:s22] =	ssyncset.done $0x0  }
0x2b: {  	[sflag:s22] =	ssyncadd.s32 $0xFFFFC000  }
0x2c: {  	_ =	swait.ge [sflag:s22], $0x4000  }
0x2d: {  	[sflag:s22] =	ssyncset.done $0x0  }
0x2e: {  	[sflag:s22] =	ssyncadd.s32 $0xFFFFC000  }
0x2f: {  	_ =	swait.ge [sflag:s22], $0x2000  }
0x30: {  	[sflag:s22] =	ssyncset.done $0x0  }
0x31: {  	s25 =	simm.s32 $0x0;
	[sflag:s22] =	ssyncadd.s32 $0xFFFFE000  }
0x32: {  	v1 =	vld [tilespmem:s25+$0xC620]  }
0x33: {  	v2 =	vld [tilespmem:s25+$0xC600]  }
0x34: {  	s20 =	simm.s32 $0x8620;
	v3 =	vld [tilespmem:s25+$0x620]  }
0x35: {  	v4 =	vld [tilespmem:s20+$0xFFFFFFE0]  }
0x36: {  	v5 =	vld [tilespmem:s25+$0x600]  }
0x37: {  	v6 =	vld [tilespmem:s25+$0x610]  }
0x38: {  	v7 =	vld [tilespmem:s20+$0xFFFFFFF0]  }
0x39: {  	v8 =	vld [tilespmem:s20+$0x0]  }
0x3a: {  	v9 =	vld [tilespmem:s25+$0xC610]  }
0x3b: {  	v10 =	vld [tilespmem:s25+$0x630]  }
0x3c: {  	v11 =	vld [tilespmem:s20+$0x10]  }
0x3d: {  	v4 =	vmul.f32 v4, v5;
	v5 =	vmul.f32 v7, v6  }
0x3e: {  	v3 =	vmul.f32 v8, v3;
	v6 =	vld [tilespmem:s25+$0xC630]  }
0x3f: {  	v2 =	vmul.f32 v2, v4;
	v4 =	vmul.f32 v9, v5;
	_ =	sdelay $0x1  }
0x40: {  	v1 =	vmul.f32 v1, v3;
	v3 =	vmul.f32 v11, v10;
	v2 =	vadd.f32 v4, v2;
	_ =	sdelay $0x1  }
0x41: {  	v1 =	vadd.f32 v1, v2;
	v2 =	vmul.f32 v6, v3;
	_ =	sdelay $0x1  }
0x42: {  	v1 =	vadd.f32 v2, v1;
	_ =	sdelay $0x1  }
0x43: {  	s24 =	simm.s32 $0x80;
	[tilespmem:s31+$0x0] =	vst v1  }
0x44: {  	v1 =	vld [tilespmem:s24+$0xC620]  }
0x45: {  	v2 =	vld [tilespmem:s24+$0xC600]  }
0x46: {  	s20 =	simm.s32 $0x8660;
	v3 =	vld [tilespmem:s24+$0x620]  }
0x47: {  	v4 =	vld [tilespmem:s20+$0xFFFFFFE0]  }
0x48: {  	v5 =	vld [tilespmem:s24+$0x600]  }
0x49: {  	s23 =	simm.s32 $0x400;
	s18 =	simm.s32 $0x14600;
	v6 =	vld [tilespmem:s24+$0x610]  }
.LBB2_2:
0x4a: {  	p0 =	sne.s32 s23, $0xFE00;
	v7 =	vld [tilespmem:s20+$0xFFFFFFF0]  }
0x4b: {  	v8 =	vld [tilespmem:s20+$0x0]  }
0x4c: {  	v9 =	vld [tilespmem:s24+$0xC610]  }
0x4d: {  	v10 =	vld [tilespmem:s24+$0x630]  }
0x4e: {  	v11 =	vld [tilespmem:s20+$0x10]  }
0x4f: {  	v4 =	vmul.f32 v4, v5;
	v5 =	vmul.f32 v7, v6  }
0x50: {  	v3 =	vmul.f32 v8, v3;
	v6 =	vld [tilespmem:s24+$0xC630]  }
0x51: {  	v2 =	vmul.f32 v2, v4;
	v4 =	vmul.f32 v9, v5;
	_ =	sdelay $0x1  }
0x52: {  	v1 =	vmul.f32 v1, v3;
	v2 =	vadd.f32 v4, v2;
	v3 =	vmul.f32 v11, v10;
	_ =	sdelay $0x1  }
0x53: {  	v1 =	vadd.f32 v1, v2;
	v2 =	vmul.f32 v6, v3;
	_ =	sdelay $0x1  }
0x54: {  	v1 =	vadd.f32 v2, v1  }
0x55: {  	s18 =	sadd.s32 $0x10, s18  }
0x56: {  	s24 =	sshra.s32 s23, $0x2;
	[tilespmem:s18+$0x0] =	vst v1  }
0x57: {  	v1 =	vld [tilespmem:s24+$0xC620]  }
.Ltmp0:
0x58: {  	v2 =	vld [tilespmem:s24+$0xC600];
	(pc) =	sbr.rel @p0 .LBB2_2-.Ltmp0, $4  }
0x59: {  	s20 =	sadd.s32 $0x40, s20;
	v3 =	vld [tilespmem:s24+$0x620]  }
0x5a: {  	v4 =	vld [tilespmem:s20+$0xFFFFFFE0]  }
0x5b: {  	v5 =	vld [tilespmem:s24+$0x600]  }
0x5c: {  	s23 =	sadd.s32 $0x200, s23;
	v6 =	vld [tilespmem:s24+$0x610]  }
0x5d: {  	v7 =	vld [tilespmem:s20+$0xFFFFFFF0]  }
0x5e: {  	v8 =	vld [tilespmem:s20+$0x0]  }
0x5f: {  	v9 =	vld [tilespmem:s24+$0xC610]  }
0x60: {  	v10 =	vld [tilespmem:s24+$0x630]  }
0x61: {  	v11 =	vld [tilespmem:s20+$0x10]  }
0x62: {  	v4 =	vmul.f32 v4, v5;
	v5 =	vmul.f32 v7, v6  }
0x63: {  	v3 =	vmul.f32 v8, v3;
	v6 =	vld [tilespmem:s24+$0xC630]  }
0x64: {  	v2 =	vmul.f32 v2, v4;
	v4 =	vmul.f32 v9, v5;
	_ =	sdelay $0x1  }
0x65: {  	v1 =	vmul.f32 v1, v3;
	v3 =	vmul.f32 v11, v10;
	v2 =	vadd.f32 v4, v2;
	_ =	sdelay $0x1  }
0x66: {  	v1 =	vadd.f32 v1, v2;
	v2 =	vmul.f32 v6, v3;
	_ =	sdelay $0x1  }
0x67: {  	v1 =	vadd.f32 v2, v1  }
0x68: {  	s18 =	sadd.s32 $0x10, s18  }
0x69: {  	s25 =	simm.s32 $0x100;
	[tilespmem:s18+$0x0] =	vst v1  }
0x6a: {  	[tilespmem:s14], [sflag:$0x1] =	stream.indirect.gather [hbm4b:s3+s13], $0x80, s25, s13, $0xb8;
	[tilespmem:$0x16800] =	vst v63  }
0x6b: {  	s20 =	simm.s32 $0x500  }
0x6c: {  	[tilespmem:s15], [sflag:$0x1] =	stream.indirect.gather [hbm4b:s3+s13], $0x80, s20, s13, $0xb8;
	[tilespmem:$0x16800] =	vst v63  }
0x6d: {  	s23 =	simm.s32 $0x300  }
0x6e: {  	[tilespmem:s16], [sflag:$0x1] =	stream.indirect.gather [hbm4b:s4+s13], $0x40, s23, s13, $0xb8;
	[tilespmem:$0x16800] =	vst v63  }
0x6f: {  	_ =	swait.ge [sflag:s26], $0x4000  }
0x70: {  	[sflag:s26] =	ssyncset.done $0x0  }
0x71: {  	[sflag:s26] =	ssyncadd.s32 $0xFFFFC000  }
0x72: {  	_ =	swait.ge [sflag:s26], $0x4000  }
0x73: {  	[sflag:s26] =	ssyncset.done $0x0  }
0x74: {  	[sflag:s26] =	ssyncadd.s32 $0xFFFFC000  }
0x75: {  	_ =	swait.ge [sflag:s26], $0x2000  }
0x76: {  	[sflag:s26] =	ssyncset.done $0x0  }
0x77: {  	s24 =	simm.s32 $0x0;
	[sflag:s26] =	ssyncadd.s32 $0xFFFFE000  }
0x78: {  	v1 =	vld [tilespmem:s24+$0x10620]  }
0x79: {  	v2 =	vld [tilespmem:s24+$0x10600]  }
0x7a: {  	s25 =	simm.s32 $0xA630;
	v3 =	vld [tilespmem:s24+$0x4620]  }
0x7b: {  	v4 =	vld [tilespmem:s25+$0xFFFFFFD0]  }
0x7c: {  	v5 =	vld [tilespmem:s24+$0x4600]  }
0x7d: {  	v6 =	vld [tilespmem:s24+$0x4610]  }
0x7e: {  	v7 =	vld [tilespmem:s25+$0xFFFFFFE0]  }
0x7f: {  	v8 =	vld [tilespmem:s25+$0xFFFFFFF0]  }
0x80: {  	v61 =	vld [tilespmem:s24+$0x10610]  }
0x81: {  	v62 =	vld [tilespmem:s24+$0x4630]  }
0x82: {  	v63 =	vld [tilespmem:s25+$0x0]  }
0x83: {  	v4 =	vmul.f32 v4, v5;
	v5 =	vmul.f32 v7, v6  }
0x84: {  	v3 =	vmul.f32 v8, v3;
	v6 =	vld [tilespmem:s24+$0x10630]  }
0x85: {  	v2 =	vmul.f32 v2, v4;
	v4 =	vmul.f32 v61, v5;
	_ =	sdelay $0x1  }
0x86: {  	v1 =	vmul.f32 v1, v3;
	v3 =	vmul.f32 v63, v62;
	v2 =	vadd.f32 v4, v2;
	_ =	sdelay $0x1  }
0x87: {  	v1 =	vadd.f32 v1, v2;
	v2 =	vmul.f32 v6, v3;
	_ =	sdelay $0x1  }
0x88: {  	v1 =	vadd.f32 v2, v1  }
0x89: {  	s18 =	simm.s32 $0x14E00  }
0x8a: {  	s24 =	simm.s32 $0x80;
	[tilespmem:s18+$0x0] =	vst v1  }
0x8b: {  	v1 =	vld [tilespmem:s24+$0x10620]  }
0x8c: {  	v2 =	vld [tilespmem:s24+$0x10600]  }
0x8d: {  	s20 =	simm.s32 $0xA670;
	v3 =	vld [tilespmem:s24+$0x4620]  }
0x8e: {  	v4 =	vld [tilespmem:s20+$0xFFFFFFD0]  }
0x8f: {  	v5 =	vld [tilespmem:s24+$0x4600]  }
0x90: {  	s23 =	simm.s32 $0x400;
	v6 =	vld [tilespmem:s24+$0x4610]  }
.LBB2_4:
0x91: {  	p0 =	sne.s32 s23, $0xFE00;
	v7 =	vld [tilespmem:s20+$0xFFFFFFE0]  }
0x92: {  	v8 =	vld [tilespmem:s20+$0xFFFFFFF0]  }
0x93: {  	v9 =	vld [tilespmem:s24+$0x10610]  }
0x94: {  	v10 =	vld [tilespmem:s24+$0x4630]  }
0x95: {  	v11 =	vld [tilespmem:s20+$0x0]  }
0x96: {  	v4 =	vmul.f32 v4, v5;
	v5 =	vmul.f32 v7, v6  }
0x97: {  	v3 =	vmul.f32 v8, v3;
	v6 =	vld [tilespmem:s24+$0x10630]  }
0x98: {  	v2 =	vmul.f32 v2, v4;
	v4 =	vmul.f32 v9, v5;
	_ =	sdelay $0x1  }
0x99: {  	v1 =	vmul.f32 v1, v3;
	v2 =	vadd.f32 v4, v2;
	v3 =	vmul.f32 v11, v10;
	_ =	sdelay $0x1  }
0x9a: {  	v1 =	vadd.f32 v1, v2;
	v2 =	vmul.f32 v6, v3;
	_ =	sdelay $0x1  }
0x9b: {  	v1 =	vadd.f32 v2, v1  }
0x9c: {  	s18 =	sadd.s32 $0x10, s18  }
0x9d: {  	s24 =	sshra.s32 s23, $0x2;
	[tilespmem:s18+$0x0] =	vst v1  }
0x9e: {  	v1 =	vld [tilespmem:s24+$0x10620]  }
.Ltmp1:
0x9f: {  	v2 =	vld [tilespmem:s24+$0x10600];
	(pc) =	sbr.rel @p0 .LBB2_4-.Ltmp1, $4  }
0xa0: {  	s20 =	sadd.s32 $0x40, s20;
	v3 =	vld [tilespmem:s24+$0x4620]  }
0xa1: {  	v4 =	vld [tilespmem:s20+$0xFFFFFFD0]  }
0xa2: {  	v5 =	vld [tilespmem:s24+$0x4600]  }
0xa3: {  	s23 =	sadd.s32 $0x200, s23;
	v6 =	vld [tilespmem:s24+$0x4610]  }
0xa4: {  	v7 =	vld [tilespmem:s20+$0xFFFFFFE0]  }
0xa5: {  	v8 =	vld [tilespmem:s20+$0xFFFFFFF0]  }
0xa6: {  	v9 =	vld [tilespmem:s24+$0x10610]  }
0xa7: {  	v10 =	vld [tilespmem:s24+$0x4630]  }
0xa8: {  	v11 =	vld [tilespmem:s20+$0x0]  }
0xa9: {  	v4 =	vmul.f32 v4, v5;
	v5 =	vmul.f32 v7, v6  }
0xaa: {  	v3 =	vmul.f32 v8, v3;
	v6 =	vld [tilespmem:s24+$0x10630]  }
0xab: {  	v2 =	vmul.f32 v2, v4;
	v4 =	vmul.f32 v9, v5;
	_ =	sdelay $0x1  }
0xac: {  	v1 =	vmul.f32 v1, v3;
	v3 =	vmul.f32 v11, v10;
	v2 =	vadd.f32 v4, v2;
	_ =	sdelay $0x1  }
0xad: {  	v1 =	vadd.f32 v1, v2;
	v2 =	vmul.f32 v6, v3;
	_ =	sdelay $0x1  }
0xae: {  	v1 =	vadd.f32 v2, v1  }
0xaf: {  	s18 =	sadd.s32 $0x10, s18  }
0xb0: {  	[tilespmem:s18+$0x0] =	vst v1  }
0xb1: {  	[tilespmem:s17], [sflag:$0x2] =	stream.indirect.gather [hbm4b:s3+s13], $0x80, s28, s13, $0xb8;
	[tilespmem:$0x16800] =	vst v63  }
0xb2: {  	_ = 	snop  }
0xb3: {  	[tilespmem:s19], [sflag:$0x2] =	stream.indirect.gather [hbm4b:s3+s13], $0x80, s29, s13, $0xb8;
	[tilespmem:$0x16800] =	vst v63  }
0xb4: {  	_ = 	snop  }
0xb5: {  	[tilespmem:s21], [sflag:$0x2] =	stream.indirect.gather [hbm4b:s4+s13], $0x40, s30, s13, $0xb8;
	[tilespmem:$0x16800] =	vst v63  }
0xb6: {  	_ =	swait.ge [sflag:s22], $0x4000  }
0xb7: {  	[sflag:s22] =	ssyncset.done $0x0  }
0xb8: {  	[sflag:s22] =	ssyncadd.s32 $0xFFFFC000  }
0xb9: {  	_ =	swait.ge [sflag:s22], $0x4000  }
0xba: {  	[sflag:s22] =	ssyncset.done $0x0  }
0xbb: {  	[sflag:s22] =	ssyncadd.s32 $0xFFFFC000  }
0xbc: {  	_ =	swait.ge [sflag:s22], $0x2000  }
0xbd: {  	[sflag:s22] =	ssyncset.done $0x0  }
0xbe: {  	s24 =	simm.s32 $0x0;
	[sflag:s22] =	ssyncadd.s32 $0xFFFFE000  }
0xbf: {  	v1 =	vld [tilespmem:s24+$0xC620]  }
0xc0: {  	v2 =	vld [tilespmem:s24+$0xC600]  }
0xc1: {  	s25 =	simm.s32 $0x8620;
	v3 =	vld [tilespmem:s24+$0x620]  }
0xc2: {  	v4 =	vld [tilespmem:s25+$0xFFFFFFE0]  }
0xc3: {  	v5 =	vld [tilespmem:s24+$0x600]  }
0xc4: {  	v6 =	vld [tilespmem:s24+$0x610]  }
0xc5: {  	v7 =	vld [tilespmem:s25+$0xFFFFFFF0]  }
0xc6: {  	v8 =	vld [tilespmem:s25+$0x0]  }
0xc7: {  	v61 =	vld [tilespmem:s24+$0xC610]  }
0xc8: {  	v62 =	vld [tilespmem:s24+$0x630]  }
0xc9: {  	v63 =	vld [tilespmem:s25+$0x10]  }
0xca: {  	v4 =	vmul.f32 v4, v5;
	v5 =	vmul.f32 v7, v6  }
0xcb: {  	v3 =	vmul.f32 v8, v3;
	v6 =	vld [tilespmem:s24+$0xC630]  }
0xcc: {  	v2 =	vmul.f32 v2, v4;
	v4 =	vmul.f32 v61, v5;
	_ =	sdelay $0x1  }
0xcd: {  	v1 =	vmul.f32 v1, v3;
	v3 =	vmul.f32 v63, v62;
	v2 =	vadd.f32 v4, v2;
	_ =	sdelay $0x1  }
0xce: {  	v1 =	vadd.f32 v1, v2;
	v2 =	vmul.f32 v6, v3;
	_ =	sdelay $0x1  }
0xcf: {  	v1 =	vadd.f32 v2, v1  }
0xd0: {  	s18 =	simm.s32 $0x15600  }
0xd1: {  	s24 =	simm.s32 $0x80;
	[tilespmem:s18+$0x0] =	vst v1  }
0xd2: {  	v1 =	vld [tilespmem:s24+$0xC620]  }
0xd3: {  	v2 =	vld [tilespmem:s24+$0xC600]  }
0xd4: {  	s20 =	simm.s32 $0x8660;
	v3 =	vld [tilespmem:s24+$0x620]  }
0xd5: {  	v4 =	vld [tilespmem:s20+$0xFFFFFFE0]  }
0xd6: {  	v5 =	vld [tilespmem:s24+$0x600]  }
0xd7: {  	s23 =	simm.s32 $0x400;
	v6 =	vld [tilespmem:s24+$0x610]  }
.LBB2_6:
0xd8: {  	p0 =	sne.s32 s23, $0xFE00;
	v7 =	vld [tilespmem:s20+$0xFFFFFFF0]  }
0xd9: {  	v8 =	vld [tilespmem:s20+$0x0]  }
0xda: {  	v9 =	vld [tilespmem:s24+$0xC610]  }
0xdb: {  	v10 =	vld [tilespmem:s24+$0x630]  }
0xdc: {  	v11 =	vld [tilespmem:s20+$0x10]  }
0xdd: {  	v4 =	vmul.f32 v4, v5;
	v5 =	vmul.f32 v7, v6  }
0xde: {  	v3 =	vmul.f32 v8, v3;
	v6 =	vld [tilespmem:s24+$0xC630]  }
0xdf: {  	v2 =	vmul.f32 v2, v4;
	v4 =	vmul.f32 v9, v5;
	_ =	sdelay $0x1  }
0xe0: {  	v1 =	vmul.f32 v1, v3;
	v2 =	vadd.f32 v4, v2;
	v3 =	vmul.f32 v11, v10;
	_ =	sdelay $0x1  }
0xe1: {  	v1 =	vadd.f32 v1, v2;
	v2 =	vmul.f32 v6, v3;
	_ =	sdelay $0x1  }
0xe2: {  	v1 =	vadd.f32 v2, v1  }
0xe3: {  	s18 =	sadd.s32 $0x10, s18  }
0xe4: {  	s24 =	sshra.s32 s23, $0x2;
	[tilespmem:s18+$0x0] =	vst v1  }
0xe5: {  	v1 =	vld [tilespmem:s24+$0xC620]  }
.Ltmp2:
0xe6: {  	v2 =	vld [tilespmem:s24+$0xC600];
	(pc) =	sbr.rel @p0 .LBB2_6-.Ltmp2, $4  }
0xe7: {  	s20 =	sadd.s32 $0x40, s20;
	v3 =	vld [tilespmem:s24+$0x620]  }
0xe8: {  	v4 =	vld [tilespmem:s20+$0xFFFFFFE0]  }
0xe9: {  	v5 =	vld [tilespmem:s24+$0x600]  }
0xea: {  	s23 =	sadd.s32 $0x200, s23;
	v6 =	vld [tilespmem:s24+$0x610]  }
0xeb: {  	v7 =	vld [tilespmem:s20+$0xFFFFFFF0]  }
0xec: {  	v8 =	vld [tilespmem:s20+$0x0]  }
0xed: {  	v9 =	vld [tilespmem:s24+$0xC610]  }
0xee: {  	v10 =	vld [tilespmem:s24+$0x630]  }
0xef: {  	v11 =	vld [tilespmem:s20+$0x10]  }
0xf0: {  	v4 =	vmul.f32 v4, v5;
	v5 =	vmul.f32 v7, v6  }
0xf1: {  	v3 =	vmul.f32 v8, v3;
	v6 =	vld [tilespmem:s24+$0xC630]  }
0xf2: {  	v2 =	vmul.f32 v2, v4;
	v4 =	vmul.f32 v9, v5;
	_ =	sdelay $0x1  }
0xf3: {  	v1 =	vmul.f32 v1, v3;
	v3 =	vmul.f32 v11, v10;
	v2 =	vadd.f32 v4, v2;
	_ =	sdelay $0x1  }
0xf4: {  	v1 =	vadd.f32 v1, v2;
	v2 =	vmul.f32 v6, v3;
	_ =	sdelay $0x1  }
0xf5: {  	v1 =	vadd.f32 v2, v1  }
0xf6: {  	s18 =	sadd.s32 $0x10, s18  }
0xf7: {  	[tilespmem:s18+$0x0] =	vst v1  }
0xf8: {  	_ =	swait.ge [sflag:s26], $0x4000  }
0xf9: {  	[sflag:s26] =	ssyncset.done $0x0  }
0xfa: {  	[sflag:s26] =	ssyncadd.s32 $0xFFFFC000  }
0xfb: {  	_ =	swait.ge [sflag:s26], $0x4000  }
0xfc: {  	[sflag:s26] =	ssyncset.done $0x0  }
0xfd: {  	[sflag:s26] =	ssyncadd.s32 $0xFFFFC000  }
0xfe: {  	_ =	swait.ge [sflag:s26], $0x2000  }
0xff: {  	[sflag:s26] =	ssyncset.done $0x0  }
0x100: {  	s24 =	simm.s32 $0x0;
	[sflag:s26] =	ssyncadd.s32 $0xFFFFE000  }
0x101: {  	v1 =	vld [tilespmem:s24+$0x10620]  }
0x102: {  	v2 =	vld [tilespmem:s24+$0x10600]  }
0x103: {  	s25 =	simm.s32 $0xA630;
	v3 =	vld [tilespmem:s24+$0x4620]  }
0x104: {  	v4 =	vld [tilespmem:s25+$0xFFFFFFD0]  }
0x105: {  	v5 =	vld [tilespmem:s24+$0x4600]  }
0x106: {  	v6 =	vld [tilespmem:s24+$0x4610]  }
0x107: {  	v7 =	vld [tilespmem:s25+$0xFFFFFFE0]  }
0x108: {  	v8 =	vld [tilespmem:s25+$0xFFFFFFF0]  }
0x109: {  	v61 =	vld [tilespmem:s24+$0x10610]  }
0x10a: {  	v62 =	vld [tilespmem:s24+$0x4630]  }
0x10b: {  	v63 =	vld [tilespmem:s25+$0x0]  }
0x10c: {  	v4 =	vmul.f32 v4, v5;
	v5 =	vmul.f32 v7, v6  }
0x10d: {  	v3 =	vmul.f32 v8, v3;
	v6 =	vld [tilespmem:s24+$0x10630]  }
0x10e: {  	v2 =	vmul.f32 v2, v4;
	v4 =	vmul.f32 v61, v5;
	_ =	sdelay $0x1  }
0x10f: {  	v1 =	vmul.f32 v1, v3;
	v3 =	vmul.f32 v63, v62;
	v2 =	vadd.f32 v4, v2;
	_ =	sdelay $0x1  }
0x110: {  	v1 =	vadd.f32 v1, v2;
	v2 =	vmul.f32 v6, v3;
	_ =	sdelay $0x1  }
0x111: {  	v1 =	vadd.f32 v2, v1  }
0x112: {  	s18 =	simm.s32 $0x15E00  }
0x113: {  	s25 =	simm.s32 $0x80;
	[tilespmem:s18+$0x0] =	vst v1  }
0x114: {  	v1 =	vld [tilespmem:s25+$0x10620]  }
0x115: {  	v2 =	vld [tilespmem:s25+$0x10600]  }
0x116: {  	s23 =	simm.s32 $0xA670;
	v3 =	vld [tilespmem:s25+$0x4620]  }
0x117: {  	v4 =	vld [tilespmem:s23+$0xFFFFFFD0]  }
0x118: {  	v5 =	vld [tilespmem:s25+$0x4600]  }
0x119: {  	s20 =	simm.s32 $0x0;
	s24 =	simm.s32 $0x400;
	v6 =	vld [tilespmem:s25+$0x4610]  }
.LBB2_8:
0x11a: {  	p0 =	sne.s32 s24, $0xFE00;
	v7 =	vld [tilespmem:s23+$0xFFFFFFE0]  }
0x11b: {  	v8 =	vld [tilespmem:s23+$0xFFFFFFF0]  }
0x11c: {  	v9 =	vld [tilespmem:s25+$0x10610]  }
0x11d: {  	v10 =	vld [tilespmem:s25+$0x4630]  }
0x11e: {  	v11 =	vld [tilespmem:s23+$0x0]  }
0x11f: {  	v4 =	vmul.f32 v4, v5;
	v5 =	vmul.f32 v7, v6  }
0x120: {  	v3 =	vmul.f32 v8, v3;
	v6 =	vld [tilespmem:s25+$0x10630]  }
0x121: {  	v2 =	vmul.f32 v2, v4;
	v4 =	vmul.f32 v9, v5;
	_ =	sdelay $0x1  }
0x122: {  	v1 =	vmul.f32 v1, v3;
	v2 =	vadd.f32 v4, v2;
	v3 =	vmul.f32 v11, v10;
	_ =	sdelay $0x1  }
0x123: {  	v1 =	vadd.f32 v1, v2;
	v2 =	vmul.f32 v6, v3;
	_ =	sdelay $0x1  }
0x124: {  	v1 =	vadd.f32 v2, v1  }
0x125: {  	s18 =	sadd.s32 $0x10, s18  }
0x126: {  	s25 =	sshra.s32 s24, $0x2;
	[tilespmem:s18+$0x0] =	vst v1  }
0x127: {  	v1 =	vld [tilespmem:s25+$0x10620]  }
.Ltmp3:
0x128: {  	v2 =	vld [tilespmem:s25+$0x10600];
	(pc) =	sbr.rel @p0 .LBB2_8-.Ltmp3, $4  }
0x129: {  	s23 =	sadd.s32 $0x40, s23;
	v3 =	vld [tilespmem:s25+$0x4620]  }
0x12a: {  	v4 =	vld [tilespmem:s23+$0xFFFFFFD0]  }
0x12b: {  	v5 =	vld [tilespmem:s25+$0x4600]  }
0x12c: {  	s24 =	sadd.s32 $0x200, s24;
	v6 =	vld [tilespmem:s25+$0x4610]  }
0x12d: {  	v7 =	vld [tilespmem:s23+$0xFFFFFFE0];
	_ =	sdelay $0x1  }
0x12e: {  	v8 =	vld [tilespmem:s25+$0x10610]  }
0x12f: {  	v9 =	vld [tilespmem:s23+$0xFFFFFFF0]  }
0x130: {  	v10 =	vld [tilespmem:s25+$0x4630]  }
0x131: {  	v11 =	vld [tilespmem:s23+$0x0];
	v4 =	vmul.f32 v4, v5;
	v5 =	vmul.f32 v7, v6;
	_ =	sdelay $0x1  }
0x132: {  	v6 =	vld [tilespmem:s25+$0x10630];
	v2 =	vmul.f32 v2, v4;
	v4 =	vmul.f32 v8, v5  }
0x133: {  	v3 =	vmul.f32 v9, v3  }
0x134: {  	v2 =	vadd.f32 v4, v2;
	v4 =	vmov s20  }
0x135: {  	v1 =	vmul.f32 v1, v3;
	v3 =	vmul.f32 v11, v10;
	v4 =	vshll.u32 v4, $0x4  }
0x136: {  	v4 =	vor.u32 v0, v4  }
0x137: {  	v1 =	vadd.f32 v1, v2;
	v2 =	vmul.f32 v6, v3;
	v3 =	vor.u32 $0x1, v4;
	_ =	sdelay $0x1  }
0x138: {  	v1 =	vadd.f32 v2, v1  }
0x139: {  	s18 =	sadd.s32 $0x10, s18;
	v2 =	vor.u32 $0x2, v4  }
0x13a: {  	[tilespmem:s18+$0x0] =	vst v1  }
0x13b: {  	v1 =	vld.idx.msk [tilespmem:v3+s31+$0x0], $0xffff;
	v3 =	vor.u32 $0x3, v4  }
0x13c: {  	v5 =	vld.idx.msk [tilespmem:v4+s31+$0x0], $0xffff  }
0x13d: {  	v6 =	vor.u32 $0x4, v4  }
0x13e: {  	v2 =	vld.idx.msk [tilespmem:v2+s31+$0x0], $0xffff  }
0x13f: {  	v7 =	vor.u32 $0x5, v4  }
0x140: {  	v3 =	vld.idx.msk [tilespmem:v3+s31+$0x0], $0xffff  }
0x141: {  	v58 =	vor.u32 $0x6, v4;
	v1 =	vadd.f32 v1, v5  }
0x142: {  	v5 =	vld.idx.msk [tilespmem:v6+s31+$0x0], $0xffff  }
0x143: {  	v6 =	vor.u32 $0x7, v4;
	v1 =	vadd.f32 v2, v1  }
0x144: {  	v2 =	vld.idx.msk [tilespmem:v7+s31+$0x0], $0xffff  }
0x145: {  	v7 =	vor.u32 $0x8, v4;
	v1 =	vadd.f32 v3, v1  }
0x146: {  	v3 =	vld.idx.msk [tilespmem:v58+s31+$0x0], $0xffff  }
0x147: {  	v59 =	vor.u32 $0x9, v4;
	v1 =	vadd.f32 v5, v1  }
0x148: {  	v5 =	vld.idx.msk [tilespmem:v6+s31+$0x0], $0xffff  }
0x149: {  	v6 =	vor.u32 $0xA, v4;
	v1 =	vadd.f32 v2, v1  }
0x14a: {  	v2 =	vld.idx.msk [tilespmem:v7+s31+$0x0], $0xffff  }
0x14b: {  	v7 =	vor.u32 $0xB, v4;
	v1 =	vadd.f32 v3, v1  }
0x14c: {  	v3 =	vld.idx.msk [tilespmem:v59+s31+$0x0], $0xffff  }
0x14d: {  	v60 =	vor.u32 $0xC, v4;
	v1 =	vadd.f32 v5, v1  }
0x14e: {  	v5 =	vld.idx.msk [tilespmem:v6+s31+$0x0], $0xffff  }
0x14f: {  	v6 =	vor.u32 $0xD, v4;
	v1 =	vadd.f32 v2, v1  }
0x150: {  	v2 =	vld.idx.msk [tilespmem:v7+s31+$0x0], $0xffff  }
0x151: {  	v7 =	vor.u32 $0xE, v4;
	v1 =	vadd.f32 v3, v1  }
0x152: {  	v3 =	vld.idx.msk [tilespmem:v60+s31+$0x0], $0xffff  }
0x153: {  	v4 =	vor.u32 $0xF, v4;
	v1 =	vadd.f32 v5, v1  }
0x154: {  	v5 =	vld.idx.msk [tilespmem:v6+s31+$0x0], $0xffff  }
0x155: {  	v1 =	vadd.f32 v2, v1  }
0x156: {  	v2 =	vld.idx.msk [tilespmem:v7+s31+$0x0], $0xffff  }
0x157: {  	s24 =	simm.s32 $0x10;
	v1 =	vadd.f32 v3, v1  }
0x158: {  	v3 =	vld.idx.msk [tilespmem:v4+s31+$0x0], $0xffff;
	v4 =	vmov s24  }
0x159: {  	v4 =	vshll.u32 v4, $0x4;
	v1 =	vadd.f32 v5, v1  }
0x15a: {  	v4 =	vor.u32 v0, v4  }
0x15b: {  	v5 =	vor.u32 $0x1, v4;
	v1 =	vadd.f32 v2, v1;
	_ =	sdelay $0x1  }
0x15c: {  	v1 =	vadd.f32 v3, v1  }
0x15d: {  	s18 =	simm.s32 $0x16600;
	v2 =	vor.u32 $0x2, v4  }
0x15e: {  	[tilespmem:s18+$0x0] =	vst v1  }
0x15f: {  	v3 =	vor.u32 $0x3, v4;
	v1 =	vld.idx.msk [tilespmem:v5+s31+$0x0], $0xffff  }
0x160: {  	v5 =	vld.idx.msk [tilespmem:v4+s31+$0x0], $0xffff  }
0x161: {  	v6 =	vor.u32 $0x4, v4  }
0x162: {  	v2 =	vld.idx.msk [tilespmem:v2+s31+$0x0], $0xffff  }
0x163: {  	v7 =	vor.u32 $0x5, v4  }
0x164: {  	v3 =	vld.idx.msk [tilespmem:v3+s31+$0x0], $0xffff  }
0x165: {  	v61 =	vor.u32 $0x6, v4;
	v1 =	vadd.f32 v1, v5  }
0x166: {  	v5 =	vld.idx.msk [tilespmem:v6+s31+$0x0], $0xffff  }
0x167: {  	v6 =	vor.u32 $0x7, v4;
	v1 =	vadd.f32 v2, v1  }
0x168: {  	v2 =	vld.idx.msk [tilespmem:v7+s31+$0x0], $0xffff  }
0x169: {  	v7 =	vor.u32 $0x8, v4;
	v1 =	vadd.f32 v3, v1  }
0x16a: {  	v3 =	vld.idx.msk [tilespmem:v61+s31+$0x0], $0xffff  }
0x16b: {  	v62 =	vor.u32 $0x9, v4;
	v1 =	vadd.f32 v5, v1  }
0x16c: {  	v5 =	vld.idx.msk [tilespmem:v6+s31+$0x0], $0xffff  }
0x16d: {  	v6 =	vor.u32 $0xA, v4;
	v1 =	vadd.f32 v2, v1  }
0x16e: {  	v2 =	vld.idx.msk [tilespmem:v7+s31+$0x0], $0xffff  }
0x16f: {  	v7 =	vor.u32 $0xB, v4;
	v1 =	vadd.f32 v3, v1  }
0x170: {  	v3 =	vld.idx.msk [tilespmem:v62+s31+$0x0], $0xffff  }
0x171: {  	v63 =	vor.u32 $0xC, v4;
	v1 =	vadd.f32 v5, v1  }
0x172: {  	v5 =	vld.idx.msk [tilespmem:v6+s31+$0x0], $0xffff  }
0x173: {  	v1 =	vadd.f32 v2, v1  }
0x174: {  	v6 =	vor.u32 $0xD, v4;
	v2 =	vld.idx.msk [tilespmem:v7+s31+$0x0], $0xffff  }
0x175: {  	v1 =	vadd.f32 v3, v1  }
0x176: {  	v7 =	vor.u32 $0xE, v4;
	v3 =	vld.idx.msk [tilespmem:v63+s31+$0x0], $0xffff  }
0x177: {  	v1 =	vadd.f32 v5, v1  }
0x178: {  	v4 =	vor.u32 $0xF, v4  }
0x179: {  	v5 =	vld.idx.msk [tilespmem:v6+s31+$0x0], $0xffff;
	v1 =	vadd.f32 v2, v1;
	_ =	sdelay $0x1  }
0x17a: {  	v3 =	vadd.f32 v3, v1;
	v1 =	vld.idx.msk [tilespmem:v7+s31+$0x0], $0xffff  }
0x17b: {  	s25 =	simm.s32 $0x20  }
0x17c: {  	v6 =	vmov s25;
	v2 =	vld.idx.msk [tilespmem:v4+s31+$0x0], $0xffff  }
0x17d: {  	s20 =	simm.s32 $0x30;
	v4 =	vshll.u32 v6, $0x4;
	v3 =	vadd.f32 v5, v3  }
.LBB2_10:
0x17e: {  	p0 =	sne.s32 s20, $0x1F0;
	v4 =	vor.u32 v0, v4  }
0x17f: {  	v5 =	vor.u32 $0x1, v4;
	v1 =	vadd.f32 v1, v3;
	_ =	sdelay $0x1  }
0x180: {  	v1 =	vadd.f32 v2, v1  }
0x181: {  	s18 =	sadd.s32 $0x10, s18;
	v2 =	vor.u32 $0x2, v4  }
0x182: {  	[tilespmem:s18+$0x0] =	vst v1  }
0x183: {  	v3 =	vor.u32 $0x3, v4;
	v1 =	vld.idx.msk [tilespmem:v5+s31+$0x0], $0xffff  }
0x184: {  	v5 =	vld.idx.msk [tilespmem:v4+s31+$0x0], $0xffff  }
0x185: {  	v6 =	vor.u32 $0x4, v4  }
0x186: {  	v2 =	vld.idx.msk [tilespmem:v2+s31+$0x0], $0xffff  }
0x187: {  	v7 =	vor.u32 $0x5, v4  }
0x188: {  	v3 =	vld.idx.msk [tilespmem:v3+s31+$0x0], $0xffff  }
0x189: {  	v8 =	vor.u32 $0x6, v4  }
0x18a: {  	v1 =	vadd.f32 v1, v5;
	v5 =	vld.idx.msk [tilespmem:v6+s31+$0x0], $0xffff  }
0x18b: {  	v6 =	vor.u32 $0x7, v4  }
0x18c: {  	v1 =	vadd.f32 v2, v1;
	v2 =	vld.idx.msk [tilespmem:v7+s31+$0x0], $0xffff  }
0x18d: {  	v7 =	vor.u32 $0x8, v4  }
0x18e: {  	v1 =	vadd.f32 v3, v1;
	v3 =	vld.idx.msk [tilespmem:v8+s31+$0x0], $0xffff  }
0x18f: {  	v8 =	vor.u32 $0x9, v4  }
0x190: {  	v1 =	vadd.f32 v5, v1;
	v5 =	vld.idx.msk [tilespmem:v6+s31+$0x0], $0xffff  }
0x191: {  	v6 =	vor.u32 $0xA, v4  }
0x192: {  	v1 =	vadd.f32 v2, v1;
	v2 =	vld.idx.msk [tilespmem:v7+s31+$0x0], $0xffff  }
0x193: {  	v7 =	vor.u32 $0xB, v4  }
0x194: {  	v1 =	vadd.f32 v3, v1;
	v3 =	vld.idx.msk [tilespmem:v8+s31+$0x0], $0xffff  }
0x195: {  	v8 =	vor.u32 $0xC, v4  }
0x196: {  	v1 =	vadd.f32 v5, v1;
	v5 =	vld.idx.msk [tilespmem:v6+s31+$0x0], $0xffff  }
0x197: {  	v6 =	vor.u32 $0xD, v4  }
0x198: {  	v1 =	vadd.f32 v2, v1;
	v2 =	vld.idx.msk [tilespmem:v7+s31+$0x0], $0xffff  }
0x199: {  	v7 =	vor.u32 $0xE, v4  }
0x19a: {  	v1 =	vadd.f32 v3, v1;
	v3 =	vld.idx.msk [tilespmem:v8+s31+$0x0], $0xffff  }
0x19b: {  	v4 =	vor.u32 $0xF, v4  }
0x19c: {  	v1 =	vadd.f32 v5, v1;
	v5 =	vld.idx.msk [tilespmem:v6+s31+$0x0], $0xffff;
	_ =	sdelay $0x1  }
.Ltmp4:
0x19d: {  	v2 =	vadd.f32 v2, v1;
	v1 =	vld.idx.msk [tilespmem:v7+s31+$0x0], $0xffff;
	(pc) =	sbr.rel @p0 .LBB2_10-.Ltmp4, $4  }
0x19e: {  	_ = 	snop  }
0x19f: {  	v3 =	vadd.f32 v3, v2;
	v2 =	vld.idx.msk [tilespmem:v4+s31+$0x0], $0xffff  }
0x1a0: {  	v4 =	vmov s20  }
0x1a1: {  	s20 =	sadd.s32 $0x10, s20;
	v4 =	vshll.u32 v4, $0x4;
	v3 =	vadd.f32 v5, v3  }
0x1a2: {  	v4 =	vor.u32 v0, v4  }
0x1a3: {  	v5 =	vor.u32 $0x1, v4;
	v1 =	vadd.f32 v1, v3;
	_ =	sdelay $0x1  }
0x1a4: {  	v1 =	vadd.f32 v2, v1  }
0x1a5: {  	s18 =	sadd.s32 $0x10, s18;
	v2 =	vor.u32 $0x2, v4  }
0x1a6: {  	[tilespmem:s18+$0x0] =	vst v1  }
0x1a7: {  	v3 =	vor.u32 $0x3, v4;
	v1 =	vld.idx.msk [tilespmem:v5+s31+$0x0], $0xffff  }
0x1a8: {  	v51 =	vld.idx.msk [tilespmem:v4+s31+$0x0], $0xffff  }
0x1a9: {  	v6 =	vor.u32 $0x4, v4  }
0x1aa: {  	v2 =	vld.idx.msk [tilespmem:v2+s31+$0x0], $0xffff  }
0x1ab: {  	v7 =	vor.u32 $0x5, v4  }
0x1ac: {  	v3 =	vld.idx.msk [tilespmem:v3+s31+$0x0], $0xffff  }
0x1ad: {  	v8 =	vor.u32 $0x6, v4;
	v1 =	vadd.f32 v1, v51  }
0x1ae: {  	v52 =	vld.idx.msk [tilespmem:v6+s31+$0x0], $0xffff  }
0x1af: {  	v53 =	vor.u32 $0x7, v4;
	v1 =	vadd.f32 v2, v1  }
0x1b0: {  	v2 =	vld.idx.msk [tilespmem:v7+s31+$0x0], $0xffff  }
0x1b1: {  	v54 =	vor.u32 $0x8, v4;
	v1 =	vadd.f32 v3, v1  }
0x1b2: {  	v3 =	vld.idx.msk [tilespmem:v8+s31+$0x0], $0xffff  }
0x1b3: {  	v55 =	vor.u32 $0x9, v4;
	v1 =	vadd.f32 v52, v1  }
0x1b4: {  	v56 =	vld.idx.msk [tilespmem:v53+s31+$0x0], $0xffff  }
0x1b5: {  	v57 =	vor.u32 $0xA, v4;
	v1 =	vadd.f32 v2, v1  }
0x1b6: {  	v2 =	vld.idx.msk [tilespmem:v54+s31+$0x0], $0xffff  }
0x1b7: {  	v58 =	vor.u32 $0xB, v4;
	v1 =	vadd.f32 v3, v1  }
0x1b8: {  	v3 =	vld.idx.msk [tilespmem:v55+s31+$0x0], $0xffff  }
0x1b9: {  	v59 =	vor.u32 $0xC, v4;
	v1 =	vadd.f32 v56, v1  }
0x1ba: {  	v60 =	vld.idx.msk [tilespmem:v57+s31+$0x0], $0xffff  }
0x1bb: {  	v61 =	vor.u32 $0xD, v4;
	v1 =	vadd.f32 v2, v1  }
0x1bc: {  	v2 =	vld.idx.msk [tilespmem:v58+s31+$0x0], $0xffff  }
0x1bd: {  	v62 =	vor.u32 $0xE, v4;
	v1 =	vadd.f32 v3, v1  }
0x1be: {  	v3 =	vld.idx.msk [tilespmem:v59+s31+$0x0], $0xffff  }
0x1bf: {  	v4 =	vor.u32 $0xF, v4;
	v1 =	vadd.f32 v60, v1  }
0x1c0: {  	v63 =	vld.idx.msk [tilespmem:v61+s31+$0x0], $0xffff  }
0x1c1: {  	v1 =	vadd.f32 v2, v1  }
0x1c2: {  	v2 =	vld.idx.msk [tilespmem:v62+s31+$0x0], $0xffff  }
0x1c3: {  	v1 =	vadd.f32 v3, v1  }
0x1c4: {  	v3 =	vld.idx.msk [tilespmem:v4+s31+$0x0], $0xffff  }
0x1c5: {  	v1 =	vadd.f32 v63, v1;
	_ =	sdelay $0x1  }
0x1c6: {  	v1 =	vadd.f32 v2, v1;
	_ =	sdelay $0x1  }
0x1c7: {  	s1 =	sadd.s32 $0x1, s1;
	v1 =	vadd.f32 v3, v1  }
0x1c8: {  	p0 =	sne.s32 s1, s9;
	s18 =	sadd.s32 $0x10, s18  }
.Ltmp5:
0x1c9: {  	[tilespmem:s18+$0x0] =	vst v1;
	(pc) =	sbr.rel @p0 .LBB2_1-.Ltmp5, $4  }
0x1ca: {  	[hbm4b:s8+s2] =	stream.linear.scatter [tilespmem:s0], [sflag:$0x3], $0x200, $0x38;
	[tilespmem:$0x16800] =	vst v63  }
0x1cb: {  	_ =	swait.ge [sflag:s10], $0x200  }
0x1cc: {  	[sflag:s10] =	ssyncset.done $0x0  }
0x1cd: {  	[sflag:s10] =	ssyncadd.s32 $0xFFFFFE00  }
0x1ce: {  	_ =	sfence.sel $0x180000  }
0x1cf: {  	[bflag:$0x0] =	sbarrier.arrive $0xFFFF  }
0x1d0: {  	_ =	strace $0x90000047  }
0x1d1: {  	s0 =	stileid.u32;
	[bflag:$0x2] =	sbarrier.arrive $0xFFFF  }
0x1d2: {  	p0 =	sne.s32 s0, $0x0;
	s0 =	rddreg [dreg:$0x5]  }
0x1d3: {  	s0 =	sadd.s32 @!p0 $0x100000, s0  }
0x1d4: {  	[sflag:s0] =	ssyncadd.tile.s32 @!p0 $0x1;
	_ =	shalt  }
.Lfunc_end2:
_tile_overlayer_lowered:
.L_overlay_start_2:
0x1d5: {  	(tag) =	ssettag $0x2  }
0x1d6: {  	s0 =	rddreg [dreg:$0x0];
	s2 =	stileid.u32  }
0x1d7: {  	s1 =	rddreg [dreg:$0x1];
	p0 =	sne.s32 s2, $0x0  }
0x1d8: {  	s3 =	rddreg [dreg:$0x2];
	[bflag:$0x3] =	sbarrier.arrive $0xFFFF;
	s2 =	simm.s32 @!p0 $0x1C03  }
0x1d9: {  	[timem:s3], [sflag:s2] =	dma.local @!p0 [hbm:s0], s1  }
0x1da: {  	s0 =	simm.s32 @!p0 $0x3  }
0x1db: {  	_ =	swait.ge @!p0 [sflag:s0], s1  }
0x1dc: {  	s1 =	ssub.s32 @!p0 $0x0, s1;
	[sflag:s0] =	ssyncset.done @!p0 $0x0  }
0x1dd: {  	[sflag:s0] =	ssyncadd.s32 @!p0 s1  }
0x1de: {  	[bflag:$0x3] =	sbarrier.arrive $0xFFFF  }
0x1df: {  	_ =	shalt  }

</sc_bundles>
